<compile_context>
chip_gen: v7x
topology: tpu7x:2x2x1
jax: 0.10.2.dev20260603
libtpu: 0.0.44.dev20260713+nightly
codegen_flags: <defaults>
</compile_context>

<pallas_src>
import functools

import jax
import jax.numpy as jnp
from jax import lax
from jax.experimental import pallas as pl
from jax.experimental.pallas import tpu as pltpu
from jax.experimental.pallas import tpu_sc as plsc

NC = 2
NS = 16
NW = NC * NS

S = 128


@functools.partial(jax.jit, static_argnames=("N", "Q", "D"))
def _sc_gather(idx3, weight, N, Q, D):
    nb_w = N // NW
    C = nb_w // S
    T = Q

    mesh = plsc.VectorSubcoreMesh(core_axis_name="c", subcore_axis_name="s")

    @functools.partial(
        pl.kernel,
        mesh=mesh,
        out_type=jax.ShapeDtypeStruct((Q, N, D), jnp.float32),
        scratch_types=[
            pltpu.VMEM((Q, C, S), jnp.int32),
            pltpu.VMEM((nb_w, D), jnp.float32),
            pltpu.VMEM((nb_w, D), jnp.float32),
            pltpu.SemaphoreType.DMA,
            pltpu.SemaphoreType.DMA,
            pltpu.SemaphoreType.DMA,
            pltpu.SemaphoreType.DMA,
        ],
        compiler_params=pltpu.CompilerParams(use_tc_tiling_on_sc=False),
    )
    def k(idx_hbm, w_hbm, outT_hbm, idx_v, buf0, buf1, sg0, sg1, sw0, sw1):
        wid = lax.axis_index("s") * NC + lax.axis_index("c")
        b0w = wid * nb_w
        pltpu.sync_copy(idx_hbm.at[:, pl.ds(wid * C, C), :], idx_v)

        def fire_gather(q, buf, sem):
            for c in range(C):
                pltpu.async_copy(
                    w_hbm.at[idx_v.at[q, c]], buf.at[pl.ds(c * S, S)], sem
                )

        def drain_gather(buf, sem):
            pltpu.make_async_copy(
                outT_hbm.at[0, pl.ds(0, nb_w)], buf, sem
            ).wait()

        def fire_write(q, buf, sem):
            pltpu.async_copy(buf, outT_hbm.at[q, pl.ds(b0w, nb_w)], sem)

        def drain_write(buf, sem):
            pltpu.make_async_copy(
                outT_hbm.at[0, pl.ds(0, nb_w)], buf, sem
            ).wait()

        fire_gather(0, buf0, sg0)

        fire_gather(1, buf1, sg1)
        drain_gather(buf0, sg0)
        fire_write(0, buf0, sw0)
        drain_write(buf0, sw0)
        fire_gather(2, buf0, sg0)
        drain_gather(buf1, sg1)
        fire_write(1, buf1, sw1)

        def body(i, carry):
            t = 2 * i
            drain_write(buf1, sw1)
            fire_gather(t + 1, buf1, sg1)
            drain_gather(buf0, sg0)
            fire_write(t, buf0, sw0)
            drain_write(buf0, sw0)
            fire_gather(t + 2, buf0, sg0)
            drain_gather(buf1, sg1)
            fire_write(t + 1, buf1, sw1)
            return carry

        lax.fori_loop(1, T // 2 - 1, body, 0)

        drain_write(buf1, sw1)
        fire_gather(T - 1, buf1, sg1)
        drain_gather(buf0, sg0)
        fire_write(T - 2, buf0, sw0)
        drain_gather(buf1, sg1)
        fire_write(T - 1, buf1, sw1)
        drain_write(buf0, sw0)
        drain_write(buf1, sw1)

    return k(idx3, weight)


def kernel(idx, weight):
    N, Q = idx.shape
    D = weight.shape[1]
    idx3 = jnp.reshape(jnp.transpose(idx.astype(jnp.int32)), (Q, N // S, S))
    outT = _sc_gather(idx3, weight, N, Q, D)
    return jnp.transpose(outT, (1, 0, 2))

# --- scband reference (transcript-rebuilt; emitter-appended) ---
"""Pipeline reference for scband-embedding-layer-65816078844357 (READ-ONLY COPY).

The authoritative reference and input builder live on the scoring server;
editing this copy changes nothing except your own understanding.
"""

import jax, jax.numpy as jnp
import numpy as np

N_ITEM = 1000000
EMBED_DIM = 32

def setup_inputs(seed: int = 0) -> dict:
    key = jax.random.key(seed)
    k_idx, k_w = jax.random.split(key)
    idx = jax.random.randint(k_idx, (16384, 50), 0, N_ITEM, dtype=jnp.int64 if jax.config.jax_enable_x64 else jnp.int32)
    # kaiming_normal_ on [n_item, embed_dim]: fan_in = embed_dim, std = sqrt(2/fan_in)
    std = float(np.sqrt(2.0 / EMBED_DIM))
    weight = jax.random.normal(k_w, (N_ITEM, EMBED_DIM), dtype=jnp.float32) * std
    return {"idx": idx, "weight": weight}

def reference(idx, weight):
    # nn.Embedding forward: table gather
    return jnp.take(weight, idx, axis=0)

if __name__ == "__main__":
    import jax
    _d = setup_inputs()
    print(jax.jit(kernel)(*tuple(_d.values())))

</pallas_src>

<mosaic_0001>
#map = affine_map<(d0, d1) -> (0, 0, 0)>
#map1 = affine_map<(d0, d1) -> (0, 0)>
module attributes {stable_mosaic.version = 14 : i64} {
  func.func @k(%arg0: i32, %arg1: i32, %arg2: memref<50x128x128xi32, #tpu.memory_space<hbm>>, %arg3: memref<1000000x32xf32, #tpu.memory_space<hbm>>, %arg4: memref<50x16384x32xf32, #tpu.memory_space<hbm>>, %arg5: memref<50x4x128xi32, #tpu.memory_space<vmem>>, %arg6: memref<512x32xf32, #tpu.memory_space<vmem>>, %arg7: memref<512x32xf32, #tpu.memory_space<vmem>>, %arg8: memref<!tpu.dma_semaphore, #tpu.memory_space<semaphore_mem>>, %arg9: memref<!tpu.dma_semaphore, #tpu.memory_space<semaphore_mem>>, %arg10: memref<!tpu.dma_semaphore, #tpu.memory_space<semaphore_mem>>, %arg11: memref<!tpu.dma_semaphore, #tpu.memory_space<semaphore_mem>>) attributes {dimension_semantics = [#tpu.dimension_semantics<core_parallel>, #tpu.dimension_semantics<subcore_parallel>], iteration_bounds = array<i64: 2, 16>, scalar_prefetch = 0 : i64, scratch_operands = 7 : i64, tpu.core_type = #tpu.core_type<sc_vector_subcore>, window_params = [{transform_indices = #map}, {transform_indices = #map1}, {transform_indices = #map}]} {
    %mul3A = arith.constant 2 : i32
    %mul3A_0 = arith.muli %arg1, %mul3A : i32
    %add3A = arith.addi %mul3A_0, %arg0 : i32
    %mul3A_1 = arith.constant 512 : i32
    %mul3A_2 = arith.muli %add3A, %mul3A_1 : i32
    %mul3A_3 = arith.constant 4 : i32
    %mul3A_4 = arith.muli %add3A, %mul3A_3 : i32
    "tpu.region"() ({
      %run_scoped3A = tpu.sem_alloc : memref<!tpu.dma_semaphore, #tpu.memory_space<semaphore_mem>>
      %dma_start3A_284 = arith.constant 0 : i32
      %dma_start3A_285 = arith.constant 0 : i32
      %dma_start3A_286 = tpu.memref_slice %arg2[%dma_start3A_284, %mul3A_4, %dma_start3A_285] : memref<50x128x128xi32, #tpu.memory_space<hbm>> -> memref<50x4x128xi32, #tpu.memory_space<hbm>>
      %dma_start3A_287 = arith.constant 0 : i32
      %dma_start3A_288 = arith.constant 0 : i32
      %dma_start3A_289 = tpu.memref_slice %arg2[%dma_start3A_287, %mul3A_4, %dma_start3A_288] : memref<50x128x128xi32, #tpu.memory_space<hbm>> -> memref<50x4x128xi32, #tpu.memory_space<hbm>>
      tpu.enqueue_dma source(%dma_start3A_289 : memref<50x4x128xi32, #tpu.memory_space<hbm>>) target(%arg5 : memref<50x4x128xi32, #tpu.memory_space<vmem>>) target_semaphore(%run_scoped3A : memref<!tpu.dma_semaphore, #tpu.memory_space<semaphore_mem>>)
      %dma_wait3A_290 = arith.constant 0 : i32
      %dma_wait3A_291 = arith.constant 0 : i32
      %dma_wait3A_292 = tpu.memref_slice %arg2[%dma_wait3A_290, %mul3A_4, %dma_wait3A_291] : memref<50x128x128xi32, #tpu.memory_space<hbm>> -> memref<50x4x128xi32, #tpu.memory_space<hbm>>
      %dma_wait3A_293 = arith.constant 0 : i32
      %dma_wait3A_294 = arith.constant 0 : i32
      %dma_wait3A_295 = tpu.memref_slice %arg2[%dma_wait3A_293, %mul3A_4, %dma_wait3A_294] : memref<50x128x128xi32, #tpu.memory_space<hbm>> -> memref<50x4x128xi32, #tpu.memory_space<hbm>>
      tpu.wait_dma2 semaphore(%run_scoped3A : memref<!tpu.dma_semaphore, #tpu.memory_space<semaphore_mem>>) src(%dma_wait3A_295 : memref<50x4x128xi32, #tpu.memory_space<hbm>>) dst(%arg5 : memref<50x4x128xi32, #tpu.memory_space<vmem>>)
      tpu.yield
    }) : () -> ()
    %dma_start3A = arith.constant 0 : i32
    %dma_start3A_5 = arith.constant 0 : i32
    %dma_start3A_6 = arith.constant 0 : i32
    %dma_start3A_7 = arith.constant 0 : i32
    %dma_start3A_8 = tpu.memref_slice %arg6[%dma_start3A_6, %dma_start3A_7] : memref<512x32xf32, #tpu.memory_space<vmem>> -> memref<128x32xf32, #tpu.memory_space<vmem>>
    %dma_start3A_9 = arith.constant 0 : i32
    %dma_start3A_10 = tpu.memref_slice %arg5[%dma_start3A, %dma_start3A_5, %dma_start3A_9] : memref<50x4x128xi32, #tpu.memory_space<vmem>> -> memref<1x1x128xi32, #tpu.memory_space<vmem>>
    %dma_start3A_11 = tpu.memref_squeeze %dma_start3A_10 : memref<1x1x128xi32, #tpu.memory_space<vmem>> -> memref<128xi32, #tpu.memory_space<vmem>>
    %dma_start3A_12 = arith.constant 0 : i32
    %dma_start3A_13 = arith.constant 0 : i32
    %dma_start3A_14 = tpu.memref_slice %arg3[%dma_start3A_12, %dma_start3A_13] : memref<1000000x32xf32, #tpu.memory_space<hbm>> -> memref<1000000x32xf32, #tpu.memory_space<hbm>>
    tpu.enqueue_indirect_dma source(%dma_start3A_14 : memref<1000000x32xf32, #tpu.memory_space<hbm>>) target(%dma_start3A_8 : memref<128x32xf32, #tpu.memory_space<vmem>>) offsets(%dma_start3A_11 : memref<128xi32, #tpu.memory_space<vmem>>) semaphore(%arg8 : memref<!tpu.dma_semaphore, #tpu.memory_space<semaphore_mem>>)
    %dma_start3A_15 = arith.constant 0 : i32
    %dma_start3A_16 = arith.constant 1 : i32
    %dma_start3A_17 = arith.constant 128 : i32
    %dma_start3A_18 = arith.constant 0 : i32
    %dma_start3A_19 = tpu.memref_slice %arg6[%dma_start3A_17, %dma_start3A_18] : memref<512x32xf32, #tpu.memory_space<vmem>> -> memref<128x32xf32, #tpu.memory_space<vmem>>
    %dma_start3A_20 = arith.constant 0 : i32
    %dma_start3A_21 = tpu.memref_slice %arg5[%dma_start3A_15, %dma_start3A_16, %dma_start3A_20] : memref<50x4x128xi32, #tpu.memory_space<vmem>> -> memref<1x1x128xi32, #tpu.memory_space<vmem>>
    %dma_start3A_22 = tpu.memref_squeeze %dma_start3A_21 : memref<1x1x128xi32, #tpu.memory_space<vmem>> -> memref<128xi32, #tpu.memory_space<vmem>>
    %dma_start3A_23 = arith.constant 0 : i32
    %dma_start3A_24 = arith.constant 0 : i32
    %dma_start3A_25 = tpu.memref_slice %arg3[%dma_start3A_23, %dma_start3A_24] : memref<1000000x32xf32, #tpu.memory_space<hbm>> -> memref<1000000x32xf32, #tpu.memory_space<hbm>>
    tpu.enqueue_indirect_dma source(%dma_start3A_25 : memref<1000000x32xf32, #tpu.memory_space<hbm>>) target(%dma_start3A_19 : memref<128x32xf32, #tpu.memory_space<vmem>>) offsets(%dma_start3A_22 : memref<128xi32, #tpu.memory_space<vmem>>) semaphore(%arg8 : memref<!tpu.dma_semaphore, #tpu.memory_space<semaphore_mem>>)
    %dma_start3A_26 = arith.constant 0 : i32
    %dma_start3A_27 = arith.constant 2 : i32
    %dma_start3A_28 = arith.constant 256 : i32
    %dma_start3A_29 = arith.constant 0 : i32
    %dma_start3A_30 = tpu.memref_slice %arg6[%dma_start3A_28, %dma_start3A_29] : memref<512x32xf32, #tpu.memory_space<vmem>> -> memref<128x32xf32, #tpu.memory_space<vmem>>
    %dma_start3A_31 = arith.constant 0 : i32
    %dma_start3A_32 = tpu.memref_slice %arg5[%dma_start3A_26, %dma_start3A_27, %dma_start3A_31] : memref<50x4x128xi32, #tpu.memory_space<vmem>> -> memref<1x1x128xi32, #tpu.memory_space<vmem>>
    %dma_start3A_33 = tpu.memref_squeeze %dma_start3A_32 : memref<1x1x128xi32, #tpu.memory_space<vmem>> -> memref<128xi32, #tpu.memory_space<vmem>>
    %dma_start3A_34 = arith.constant 0 : i32
    %dma_start3A_35 = arith.constant 0 : i32
    %dma_start3A_36 = tpu.memref_slice %arg3[%dma_start3A_34, %dma_start3A_35] : memref<1000000x32xf32, #tpu.memory_space<hbm>> -> memref<1000000x32xf32, #tpu.memory_space<hbm>>
    tpu.enqueue_indirect_dma source(%dma_start3A_36 : memref<1000000x32xf32, #tpu.memory_space<hbm>>) target(%dma_start3A_30 : memref<128x32xf32, #tpu.memory_space<vmem>>) offsets(%dma_start3A_33 : memref<128xi32, #tpu.memory_space<vmem>>) semaphore(%arg8 : memref<!tpu.dma_semaphore, #tpu.memory_space<semaphore_mem>>)
    %dma_start3A_37 = arith.constant 0 : i32
    %dma_start3A_38 = arith.constant 3 : i32
    %dma_start3A_39 = arith.constant 384 : i32
    %dma_start3A_40 = arith.constant 0 : i32
    %dma_start3A_41 = tpu.memref_slice %arg6[%dma_start3A_39, %dma_start3A_40] : memref<512x32xf32, #tpu.memory_space<vmem>> -> memref<128x32xf32, #tpu.memory_space<vmem>>
    %dma_start3A_42 = arith.constant 0 : i32
    %dma_start3A_43 = tpu.memref_slice %arg5[%dma_start3A_37, %dma_start3A_38, %dma_start3A_42] : memref<50x4x128xi32, #tpu.memory_space<vmem>> -> memref<1x1x128xi32, #tpu.memory_space<vmem>>
    %dma_start3A_44 = tpu.memref_squeeze %dma_start3A_43 : memref<1x1x128xi32, #tpu.memory_space<vmem>> -> memref<128xi32, #tpu.memory_space<vmem>>
    %dma_start3A_45 = arith.constant 0 : i32
    %dma_start3A_46 = arith.constant 0 : i32
    %dma_start3A_47 = tpu.memref_slice %arg3[%dma_start3A_45, %dma_start3A_46] : memref<1000000x32xf32, #tpu.memory_space<hbm>> -> memref<1000000x32xf32, #tpu.memory_space<hbm>>
    tpu.enqueue_indirect_dma source(%dma_start3A_47 : memref<1000000x32xf32, #tpu.memory_space<hbm>>) target(%dma_start3A_41 : memref<128x32xf32, #tpu.memory_space<vmem>>) offsets(%dma_start3A_44 : memref<128xi32, #tpu.memory_space<vmem>>) semaphore(%arg8 : memref<!tpu.dma_semaphore, #tpu.memory_space<semaphore_mem>>)
    %dma_start3A_48 = arith.constant 1 : i32
    %dma_start3A_49 = arith.constant 0 : i32
    %dma_start3A_50 = arith.constant 0 : i32
    %dma_start3A_51 = arith.constant 0 : i32
    %dma_start3A_52 = tpu.memref_slice %arg7[%dma_start3A_50, %dma_start3A_51] : memref<512x32xf32, #tpu.memory_space<vmem>> -> memref<128x32xf32, #tpu.memory_space<vmem>>
    %dma_start3A_53 = arith.constant 0 : i32
    %dma_start3A_54 = tpu.memref_slice %arg5[%dma_start3A_48, %dma_start3A_49, %dma_start3A_53] : memref<50x4x128xi32, #tpu.memory_space<vmem>> -> memref<1x1x128xi32, #tpu.memory_space<vmem>>
    %dma_start3A_55 = tpu.memref_squeeze %dma_start3A_54 : memref<1x1x128xi32, #tpu.memory_space<vmem>> -> memref<128xi32, #tpu.memory_space<vmem>>
    %dma_start3A_56 = arith.constant 0 : i32
    %dma_start3A_57 = arith.constant 0 : i32
    %dma_start3A_58 = tpu.memref_slice %arg3[%dma_start3A_56, %dma_start3A_57] : memref<1000000x32xf32, #tpu.memory_space<hbm>> -> memref<1000000x32xf32, #tpu.memory_space<hbm>>
    tpu.enqueue_indirect_dma source(%dma_start3A_58 : memref<1000000x32xf32, #tpu.memory_space<hbm>>) target(%dma_start3A_52 : memref<128x32xf32, #tpu.memory_space<vmem>>) offsets(%dma_start3A_55 : memref<128xi32, #tpu.memory_space<vmem>>) semaphore(%arg9 : memref<!tpu.dma_semaphore, #tpu.memory_space<semaphore_mem>>)
    %dma_start3A_59 = arith.constant 1 : i32
    %dma_start3A_60 = arith.constant 1 : i32
    %dma_start3A_61 = arith.constant 128 : i32
    %dma_start3A_62 = arith.constant 0 : i32
    %dma_start3A_63 = tpu.memref_slice %arg7[%dma_start3A_61, %dma_start3A_62] : memref<512x32xf32, #tpu.memory_space<vmem>> -> memref<128x32xf32, #tpu.memory_space<vmem>>
    %dma_start3A_64 = arith.constant 0 : i32
    %dma_start3A_65 = tpu.memref_slice %arg5[%dma_start3A_59, %dma_start3A_60, %dma_start3A_64] : memref<50x4x128xi32, #tpu.memory_space<vmem>> -> memref<1x1x128xi32, #tpu.memory_space<vmem>>
    %dma_start3A_66 = tpu.memref_squeeze %dma_start3A_65 : memref<1x1x128xi32, #tpu.memory_space<vmem>> -> memref<128xi32, #tpu.memory_space<vmem>>
    %dma_start3A_67 = arith.constant 0 : i32
    %dma_start3A_68 = arith.constant 0 : i32
    %dma_start3A_69 = tpu.memref_slice %arg3[%dma_start3A_67, %dma_start3A_68] : memref<1000000x32xf32, #tpu.memory_space<hbm>> -> memref<1000000x32xf32, #tpu.memory_space<hbm>>
    tpu.enqueue_indirect_dma source(%dma_start3A_69 : memref<1000000x32xf32, #tpu.memory_space<hbm>>) target(%dma_start3A_63 : memref<128x32xf32, #tpu.memory_space<vmem>>) offsets(%dma_start3A_66 : memref<128xi32, #tpu.memory_space<vmem>>) semaphore(%arg9 : memref<!tpu.dma_semaphore, #tpu.memory_space<semaphore_mem>>)
    %dma_start3A_70 = arith.constant 1 : i32
    %dma_start3A_71 = arith.constant 2 : i32
    %dma_start3A_72 = arith.constant 256 : i32
    %dma_start3A_73 = arith.constant 0 : i32
    %dma_start3A_74 = tpu.memref_slice %arg7[%dma_start3A_72, %dma_start3A_73] : memref<512x32xf32, #tpu.memory_space<vmem>> -> memref<128x32xf32, #tpu.memory_space<vmem>>
    %dma_start3A_75 = arith.constant 0 : i32
    %dma_start3A_76 = tpu.memref_slice %arg5[%dma_start3A_70, %dma_start3A_71, %dma_start3A_75] : memref<50x4x128xi32, #tpu.memory_space<vmem>> -> memref<1x1x128xi32, #tpu.memory_space<vmem>>
    %dma_start3A_77 = tpu.memref_squeeze %dma_start3A_76 : memref<1x1x128xi32, #tpu.memory_space<vmem>> -> memref<128xi32, #tpu.memory_space<vmem>>
    %dma_start3A_78 = arith.constant 0 : i32
    %dma_start3A_79 = arith.constant 0 : i32
    %dma_start3A_80 = tpu.memref_slice %arg3[%dma_start3A_78, %dma_start3A_79] : memref<1000000x32xf32, #tpu.memory_space<hbm>> -> memref<1000000x32xf32, #tpu.memory_space<hbm>>
    tpu.enqueue_indirect_dma source(%dma_start3A_80 : memref<1000000x32xf32, #tpu.memory_space<hbm>>) target(%dma_start3A_74 : memref<128x32xf32, #tpu.memory_space<vmem>>) offsets(%dma_start3A_77 : memref<128xi32, #tpu.memory_space<vmem>>) semaphore(%arg9 : memref<!tpu.dma_semaphore, #tpu.memory_space<semaphore_mem>>)
    %dma_start3A_81 = arith.constant 1 : i32
    %dma_start3A_82 = arith.constant 3 : i32
    %dma_start3A_83 = arith.constant 384 : i32
    %dma_start3A_84 = arith.constant 0 : i32
    %dma_start3A_85 = tpu.memref_slice %arg7[%dma_start3A_83, %dma_start3A_84] : memref<512x32xf32, #tpu.memory_space<vmem>> -> memref<128x32xf32, #tpu.memory_space<vmem>>
    %dma_start3A_86 = arith.constant 0 : i32
    %dma_start3A_87 = tpu.memref_slice %arg5[%dma_start3A_81, %dma_start3A_82, %dma_start3A_86] : memref<50x4x128xi32, #tpu.memory_space<vmem>> -> memref<1x1x128xi32, #tpu.memory_space<vmem>>
    %dma_start3A_88 = tpu.memref_squeeze %dma_start3A_87 : memref<1x1x128xi32, #tpu.memory_space<vmem>> -> memref<128xi32, #tpu.memory_space<vmem>>
    %dma_start3A_89 = arith.constant 0 : i32
    %dma_start3A_90 = arith.constant 0 : i32
    %dma_start3A_91 = tpu.memref_slice %arg3[%dma_start3A_89, %dma_start3A_90] : memref<1000000x32xf32, #tpu.memory_space<hbm>> -> memref<1000000x32xf32, #tpu.memory_space<hbm>>
    tpu.enqueue_indirect_dma source(%dma_start3A_91 : memref<1000000x32xf32, #tpu.memory_space<hbm>>) target(%dma_start3A_85 : memref<128x32xf32, #tpu.memory_space<vmem>>) offsets(%dma_start3A_88 : memref<128xi32, #tpu.memory_space<vmem>>) semaphore(%arg9 : memref<!tpu.dma_semaphore, #tpu.memory_space<semaphore_mem>>)
    %dma_wait3A = arith.constant 0 : i32
    %dma_wait3A_92 = arith.constant 0 : i32
    %dma_wait3A_93 = arith.constant 0 : i32
    %dma_wait3A_94 = tpu.memref_slice %arg4[%dma_wait3A, %dma_wait3A_92, %dma_wait3A_93] : memref<50x16384x32xf32, #tpu.memory_space<hbm>> -> memref<1x512x32xf32, #tpu.memory_space<hbm>>
    %dma_wait3A_95 = tpu.memref_squeeze %dma_wait3A_94 : memref<1x512x32xf32, #tpu.memory_space<hbm>> -> memref<512x32xf32, #tpu.memory_space<hbm>>
    %dma_wait3A_96 = arith.constant 0 : i32
    %dma_wait3A_97 = arith.constant 0 : i32
    %dma_wait3A_98 = tpu.memref_slice %arg4[%dma_wait3A, %dma_wait3A_96, %dma_wait3A_97] : memref<50x16384x32xf32, #tpu.memory_space<hbm>> -> memref<1x512x32xf32, #tpu.memory_space<hbm>>
    %dma_wait3A_99 = tpu.memref_squeeze %dma_wait3A_98 : memref<1x512x32xf32, #tpu.memory_space<hbm>> -> memref<512x32xf32, #tpu.memory_space<hbm>>
    tpu.wait_dma2 semaphore(%arg8 : memref<!tpu.dma_semaphore, #tpu.memory_space<semaphore_mem>>) src(%dma_wait3A_99 : memref<512x32xf32, #tpu.memory_space<hbm>>) dst(%arg6 : memref<512x32xf32, #tpu.memory_space<vmem>>)
    %dma_start3A_100 = arith.constant 0 : i32
    %dma_start3A_101 = arith.constant 0 : i32
    %dma_start3A_102 = tpu.memref_slice %arg4[%dma_start3A_100, %mul3A_2, %dma_start3A_101] : memref<50x16384x32xf32, #tpu.memory_space<hbm>> -> memref<1x512x32xf32, #tpu.memory_space<hbm>>
    %dma_start3A_103 = tpu.memref_squeeze %dma_start3A_102 : memref<1x512x32xf32, #tpu.memory_space<hbm>> -> memref<512x32xf32, #tpu.memory_space<hbm>>
    %dma_start3A_104 = arith.constant 0 : i32
    %dma_start3A_105 = tpu.memref_slice %arg4[%dma_start3A_100, %mul3A_2, %dma_start3A_104] : memref<50x16384x32xf32, #tpu.memory_space<hbm>> -> memref<1x512x32xf32, #tpu.memory_space<hbm>>
    %dma_start3A_106 = tpu.memref_squeeze %dma_start3A_105 : memref<1x512x32xf32, #tpu.memory_space<hbm>> -> memref<512x32xf32, #tpu.memory_space<hbm>>
    tpu.enqueue_dma source(%arg6 : memref<512x32xf32, #tpu.memory_space<vmem>>) target(%dma_start3A_106 : memref<512x32xf32, #tpu.memory_space<hbm>>) target_semaphore(%arg10 : memref<!tpu.dma_semaphore, #tpu.memory_space<semaphore_mem>>)
    %dma_wait3A_107 = arith.constant 0 : i32
    %dma_wait3A_108 = arith.constant 0 : i32
    %dma_wait3A_109 = arith.constant 0 : i32
    %dma_wait3A_110 = tpu.memref_slice %arg4[%dma_wait3A_107, %dma_wait3A_108, %dma_wait3A_109] : memref<50x16384x32xf32, #tpu.memory_space<hbm>> -> memref<1x512x32xf32, #tpu.memory_space<hbm>>
    %dma_wait3A_111 = tpu.memref_squeeze %dma_wait3A_110 : memref<1x512x32xf32, #tpu.memory_space<hbm>> -> memref<512x32xf32, #tpu.memory_space<hbm>>
    %dma_wait3A_112 = arith.constant 0 : i32
    %dma_wait3A_113 = arith.constant 0 : i32
    %dma_wait3A_114 = tpu.memref_slice %arg4[%dma_wait3A_107, %dma_wait3A_112, %dma_wait3A_113] : memref<50x16384x32xf32, #tpu.memory_space<hbm>> -> memref<1x512x32xf32, #tpu.memory_space<hbm>>
    %dma_wait3A_115 = tpu.memref_squeeze %dma_wait3A_114 : memref<1x512x32xf32, #tpu.memory_space<hbm>> -> memref<512x32xf32, #tpu.memory_space<hbm>>
    tpu.wait_dma2 semaphore(%arg10 : memref<!tpu.dma_semaphore, #tpu.memory_space<semaphore_mem>>) src(%dma_wait3A_115 : memref<512x32xf32, #tpu.memory_space<hbm>>) dst(%arg6 : memref<512x32xf32, #tpu.memory_space<vmem>>)
    %dma_start3A_116 = arith.constant 2 : i32
    %dma_start3A_117 = arith.constant 0 : i32
    %dma_start3A_118 = arith.constant 0 : i32
    %dma_start3A_119 = arith.constant 0 : i32
    %dma_start3A_120 = tpu.memref_slice %arg6[%dma_start3A_118, %dma_start3A_119] : memref<512x32xf32, #tpu.memory_space<vmem>> -> memref<128x32xf32, #tpu.memory_space<vmem>>
    %dma_start3A_121 = arith.constant 0 : i32
    %dma_start3A_122 = tpu.memref_slice %arg5[%dma_start3A_116, %dma_start3A_117, %dma_start3A_121] : memref<50x4x128xi32, #tpu.memory_space<vmem>> -> memref<1x1x128xi32, #tpu.memory_space<vmem>>
    %dma_start3A_123 = tpu.memref_squeeze %dma_start3A_122 : memref<1x1x128xi32, #tpu.memory_space<vmem>> -> memref<128xi32, #tpu.memory_space<vmem>>
    %dma_start3A_124 = arith.constant 0 : i32
    %dma_start3A_125 = arith.constant 0 : i32
    %dma_start3A_126 = tpu.memref_slice %arg3[%dma_start3A_124, %dma_start3A_125] : memref<1000000x32xf32, #tpu.memory_space<hbm>> -> memref<1000000x32xf32, #tpu.memory_space<hbm>>
    tpu.enqueue_indirect_dma source(%dma_start3A_126 : memref<1000000x32xf32, #tpu.memory_space<hbm>>) target(%dma_start3A_120 : memref<128x32xf32, #tpu.memory_space<vmem>>) offsets(%dma_start3A_123 : memref<128xi32, #tpu.memory_space<vmem>>) semaphore(%arg8 : memref<!tpu.dma_semaphore, #tpu.memory_space<semaphore_mem>>)
    %dma_start3A_127 = arith.constant 2 : i32
    %dma_start3A_128 = arith.constant 1 : i32
    %dma_start3A_129 = arith.constant 128 : i32
    %dma_start3A_130 = arith.constant 0 : i32
    %dma_start3A_131 = tpu.memref_slice %arg6[%dma_start3A_129, %dma_start3A_130] : memref<512x32xf32, #tpu.memory_space<vmem>> -> memref<128x32xf32, #tpu.memory_space<vmem>>
    %dma_start3A_132 = arith.constant 0 : i32
    %dma_start3A_133 = tpu.memref_slice %arg5[%dma_start3A_127, %dma_start3A_128, %dma_start3A_132] : memref<50x4x128xi32, #tpu.memory_space<vmem>> -> memref<1x1x128xi32, #tpu.memory_space<vmem>>
    %dma_start3A_134 = tpu.memref_squeeze %dma_start3A_133 : memref<1x1x128xi32, #tpu.memory_space<vmem>> -> memref<128xi32, #tpu.memory_space<vmem>>
    %dma_start3A_135 = arith.constant 0 : i32
    %dma_start3A_136 = arith.constant 0 : i32
    %dma_start3A_137 = tpu.memref_slice %arg3[%dma_start3A_135, %dma_start3A_136] : memref<1000000x32xf32, #tpu.memory_space<hbm>> -> memref<1000000x32xf32, #tpu.memory_space<hbm>>
    tpu.enqueue_indirect_dma source(%dma_start3A_137 : memref<1000000x32xf32, #tpu.memory_space<hbm>>) target(%dma_start3A_131 : memref<128x32xf32, #tpu.memory_space<vmem>>) offsets(%dma_start3A_134 : memref<128xi32, #tpu.memory_space<vmem>>) semaphore(%arg8 : memref<!tpu.dma_semaphore, #tpu.memory_space<semaphore_mem>>)
    %dma_start3A_138 = arith.constant 2 : i32
    %dma_start3A_139 = arith.constant 2 : i32
    %dma_start3A_140 = arith.constant 256 : i32
    %dma_start3A_141 = arith.constant 0 : i32
    %dma_start3A_142 = tpu.memref_slice %arg6[%dma_start3A_140, %dma_start3A_141] : memref<512x32xf32, #tpu.memory_space<vmem>> -> memref<128x32xf32, #tpu.memory_space<vmem>>
    %dma_start3A_143 = arith.constant 0 : i32
    %dma_start3A_144 = tpu.memref_slice %arg5[%dma_start3A_138, %dma_start3A_139, %dma_start3A_143] : memref<50x4x128xi32, #tpu.memory_space<vmem>> -> memref<1x1x128xi32, #tpu.memory_space<vmem>>
    %dma_start3A_145 = tpu.memref_squeeze %dma_start3A_144 : memref<1x1x128xi32, #tpu.memory_space<vmem>> -> memref<128xi32, #tpu.memory_space<vmem>>
    %dma_start3A_146 = arith.constant 0 : i32
    %dma_start3A_147 = arith.constant 0 : i32
    %dma_start3A_148 = tpu.memref_slice %arg3[%dma_start3A_146, %dma_start3A_147] : memref<1000000x32xf32, #tpu.memory_space<hbm>> -> memref<1000000x32xf32, #tpu.memory_space<hbm>>
    tpu.enqueue_indirect_dma source(%dma_start3A_148 : memref<1000000x32xf32, #tpu.memory_space<hbm>>) target(%dma_start3A_142 : memref<128x32xf32, #tpu.memory_space<vmem>>) offsets(%dma_start3A_145 : memref<128xi32, #tpu.memory_space<vmem>>) semaphore(%arg8 : memref<!tpu.dma_semaphore, #tpu.memory_space<semaphore_mem>>)
    %dma_start3A_149 = arith.constant 2 : i32
    %dma_start3A_150 = arith.constant 3 : i32
    %dma_start3A_151 = arith.constant 384 : i32
    %dma_start3A_152 = arith.constant 0 : i32
    %dma_start3A_153 = tpu.memref_slice %arg6[%dma_start3A_151, %dma_start3A_152] : memref<512x32xf32, #tpu.memory_space<vmem>> -> memref<128x32xf32, #tpu.memory_space<vmem>>
    %dma_start3A_154 = arith.constant 0 : i32
    %dma_start3A_155 = tpu.memref_slice %arg5[%dma_start3A_149, %dma_start3A_150, %dma_start3A_154] : memref<50x4x128xi32, #tpu.memory_space<vmem>> -> memref<1x1x128xi32, #tpu.memory_space<vmem>>
    %dma_start3A_156 = tpu.memref_squeeze %dma_start3A_155 : memref<1x1x128xi32, #tpu.memory_space<vmem>> -> memref<128xi32, #tpu.memory_space<vmem>>
    %dma_start3A_157 = arith.constant 0 : i32
    %dma_start3A_158 = arith.constant 0 : i32
    %dma_start3A_159 = tpu.memref_slice %arg3[%dma_start3A_157, %dma_start3A_158] : memref<1000000x32xf32, #tpu.memory_space<hbm>> -> memref<1000000x32xf32, #tpu.memory_space<hbm>>
    tpu.enqueue_indirect_dma source(%dma_start3A_159 : memref<1000000x32xf32, #tpu.memory_space<hbm>>) target(%dma_start3A_153 : memref<128x32xf32, #tpu.memory_space<vmem>>) offsets(%dma_start3A_156 : memref<128xi32, #tpu.memory_space<vmem>>) semaphore(%arg8 : memref<!tpu.dma_semaphore, #tpu.memory_space<semaphore_mem>>)
    %dma_wait3A_160 = arith.constant 0 : i32
    %dma_wait3A_161 = arith.constant 0 : i32
    %dma_wait3A_162 = arith.constant 0 : i32
    %dma_wait3A_163 = tpu.memref_slice %arg4[%dma_wait3A_160, %dma_wait3A_161, %dma_wait3A_162] : memref<50x16384x32xf32, #tpu.memory_space<hbm>> -> memref<1x512x32xf32, #tpu.memory_space<hbm>>
    %dma_wait3A_164 = tpu.memref_squeeze %dma_wait3A_163 : memref<1x512x32xf32, #tpu.memory_space<hbm>> -> memref<512x32xf32, #tpu.memory_space<hbm>>
    %dma_wait3A_165 = arith.constant 0 : i32
    %dma_wait3A_166 = arith.constant 0 : i32
    %dma_wait3A_167 = tpu.memref_slice %arg4[%dma_wait3A_160, %dma_wait3A_165, %dma_wait3A_166] : memref<50x16384x32xf32, #tpu.memory_space<hbm>> -> memref<1x512x32xf32, #tpu.memory_space<hbm>>
    %dma_wait3A_168 = tpu.memref_squeeze %dma_wait3A_167 : memref<1x512x32xf32, #tpu.memory_space<hbm>> -> memref<512x32xf32, #tpu.memory_space<hbm>>
    tpu.wait_dma2 semaphore(%arg9 : memref<!tpu.dma_semaphore, #tpu.memory_space<semaphore_mem>>) src(%dma_wait3A_168 : memref<512x32xf32, #tpu.memory_space<hbm>>) dst(%arg7 : memref<512x32xf32, #tpu.memory_space<vmem>>)
    %dma_start3A_169 = arith.constant 1 : i32
    %dma_start3A_170 = arith.constant 0 : i32
    %dma_start3A_171 = tpu.memref_slice %arg4[%dma_start3A_169, %mul3A_2, %dma_start3A_170] : memref<50x16384x32xf32, #tpu.memory_space<hbm>> -> memref<1x512x32xf32, #tpu.memory_space<hbm>>
    %dma_start3A_172 = tpu.memref_squeeze %dma_start3A_171 : memref<1x512x32xf32, #tpu.memory_space<hbm>> -> memref<512x32xf32, #tpu.memory_space<hbm>>
    %dma_start3A_173 = arith.constant 0 : i32
    %dma_start3A_174 = tpu.memref_slice %arg4[%dma_start3A_169, %mul3A_2, %dma_start3A_173] : memref<50x16384x32xf32, #tpu.memory_space<hbm>> -> memref<1x512x32xf32, #tpu.memory_space<hbm>>
    %dma_start3A_175 = tpu.memref_squeeze %dma_start3A_174 : memref<1x512x32xf32, #tpu.memory_space<hbm>> -> memref<512x32xf32, #tpu.memory_space<hbm>>
    tpu.enqueue_dma source(%arg7 : memref<512x32xf32, #tpu.memory_space<vmem>>) target(%dma_start3A_175 : memref<512x32xf32, #tpu.memory_space<hbm>>) target_semaphore(%arg11 : memref<!tpu.dma_semaphore, #tpu.memory_space<semaphore_mem>>)
    %scan3A = arith.constant 0 : i32
    %scan3A_176 = arith.constant 1 : i32
    %scan3A_177 = arith.constant 23 : i32
    %scan3A_178 = arith.addi %scan3A_176, %scan3A_177 : i32
    %scan3A_179 = arith.constant 1 : i32
    scf.for %scan3A_284 = %scan3A_176 to %scan3A_178 step %scan3A_179  : i32 {
      %mul3A_285 = arith.constant 2 : i32
      %mul3A_286 = arith.muli %mul3A_285, %scan3A_284 : i32
      %dma_wait3A_287 = arith.constant 0 : i32
      %dma_wait3A_288 = arith.constant 0 : i32
      %dma_wait3A_289 = arith.constant 0 : i32
      %dma_wait3A_290 = tpu.memref_slice %arg4[%dma_wait3A_287, %dma_wait3A_288, %dma_wait3A_289] : memref<50x16384x32xf32, #tpu.memory_space<hbm>> -> memref<1x512x32xf32, #tpu.memory_space<hbm>>
      %dma_wait3A_291 = tpu.memref_squeeze %dma_wait3A_290 : memref<1x512x32xf32, #tpu.memory_space<hbm>> -> memref<512x32xf32, #tpu.memory_space<hbm>>
      %dma_wait3A_292 = arith.constant 0 : i32
      %dma_wait3A_293 = arith.constant 0 : i32
      %dma_wait3A_294 = tpu.memref_slice %arg4[%dma_wait3A_287, %dma_wait3A_292, %dma_wait3A_293] : memref<50x16384x32xf32, #tpu.memory_space<hbm>> -> memref<1x512x32xf32, #tpu.memory_space<hbm>>
      %dma_wait3A_295 = tpu.memref_squeeze %dma_wait3A_294 : memref<1x512x32xf32, #tpu.memory_space<hbm>> -> memref<512x32xf32, #tpu.memory_space<hbm>>
      tpu.wait_dma2 semaphore(%arg11 : memref<!tpu.dma_semaphore, #tpu.memory_space<semaphore_mem>>) src(%dma_wait3A_295 : memref<512x32xf32, #tpu.memory_space<hbm>>) dst(%arg7 : memref<512x32xf32, #tpu.memory_space<vmem>>)
      %add3A_296 = arith.constant 1 : i32
      %add3A_297 = arith.addi %mul3A_286, %add3A_296 : i32
      %dma_start3A_298 = arith.constant 0 : i32
      %dma_start3A_299 = arith.constant 0 : i32
      %dma_start3A_300 = arith.constant 0 : i32
      %dma_start3A_301 = tpu.memref_slice %arg7[%dma_start3A_299, %dma_start3A_300] : memref<512x32xf32, #tpu.memory_space<vmem>> -> memref<128x32xf32, #tpu.memory_space<vmem>>
      %dma_start3A_302 = arith.constant 0 : i32
      %dma_start3A_303 = tpu.memref_slice %arg5[%add3A_297, %dma_start3A_298, %dma_start3A_302] : memref<50x4x128xi32, #tpu.memory_space<vmem>> -> memref<1x1x128xi32, #tpu.memory_space<vmem>>
      %dma_start3A_304 = tpu.memref_squeeze %dma_start3A_303 : memref<1x1x128xi32, #tpu.memory_space<vmem>> -> memref<128xi32, #tpu.memory_space<vmem>>
      %dma_start3A_305 = arith.constant 0 : i32
      %dma_start3A_306 = arith.constant 0 : i32
      %dma_start3A_307 = tpu.memref_slice %arg3[%dma_start3A_305, %dma_start3A_306] : memref<1000000x32xf32, #tpu.memory_space<hbm>> -> memref<1000000x32xf32, #tpu.memory_space<hbm>>
      tpu.enqueue_indirect_dma source(%dma_start3A_307 : memref<1000000x32xf32, #tpu.memory_space<hbm>>) target(%dma_start3A_301 : memref<128x32xf32, #tpu.memory_space<vmem>>) offsets(%dma_start3A_304 : memref<128xi32, #tpu.memory_space<vmem>>) semaphore(%arg9 : memref<!tpu.dma_semaphore, #tpu.memory_space<semaphore_mem>>)
      %dma_start3A_308 = arith.constant 1 : i32
      %dma_start3A_309 = arith.constant 128 : i32
      %dma_start3A_310 = arith.constant 0 : i32
      %dma_start3A_311 = tpu.memref_slice %arg7[%dma_start3A_309, %dma_start3A_310] : memref<512x32xf32, #tpu.memory_space<vmem>> -> memref<128x32xf32, #tpu.memory_space<vmem>>
      %dma_start3A_312 = arith.constant 0 : i32
      %dma_start3A_313 = tpu.memref_slice %arg5[%add3A_297, %dma_start3A_308, %dma_start3A_312] : memref<50x4x128xi32, #tpu.memory_space<vmem>> -> memref<1x1x128xi32, #tpu.memory_space<vmem>>
      %dma_start3A_314 = tpu.memref_squeeze %dma_start3A_313 : memref<1x1x128xi32, #tpu.memory_space<vmem>> -> memref<128xi32, #tpu.memory_space<vmem>>
      %dma_start3A_315 = arith.constant 0 : i32
      %dma_start3A_316 = arith.constant 0 : i32
      %dma_start3A_317 = tpu.memref_slice %arg3[%dma_start3A_315, %dma_start3A_316] : memref<1000000x32xf32, #tpu.memory_space<hbm>> -> memref<1000000x32xf32, #tpu.memory_space<hbm>>
      tpu.enqueue_indirect_dma source(%dma_start3A_317 : memref<1000000x32xf32, #tpu.memory_space<hbm>>) target(%dma_start3A_311 : memref<128x32xf32, #tpu.memory_space<vmem>>) offsets(%dma_start3A_314 : memref<128xi32, #tpu.memory_space<vmem>>) semaphore(%arg9 : memref<!tpu.dma_semaphore, #tpu.memory_space<semaphore_mem>>)
      %dma_start3A_318 = arith.constant 2 : i32
      %dma_start3A_319 = arith.constant 256 : i32
      %dma_start3A_320 = arith.constant 0 : i32
      %dma_start3A_321 = tpu.memref_slice %arg7[%dma_start3A_319, %dma_start3A_320] : memref<512x32xf32, #tpu.memory_space<vmem>> -> memref<128x32xf32, #tpu.memory_space<vmem>>
      %dma_start3A_322 = arith.constant 0 : i32
      %dma_start3A_323 = tpu.memref_slice %arg5[%add3A_297, %dma_start3A_318, %dma_start3A_322] : memref<50x4x128xi32, #tpu.memory_space<vmem>> -> memref<1x1x128xi32, #tpu.memory_space<vmem>>
      %dma_start3A_324 = tpu.memref_squeeze %dma_start3A_323 : memref<1x1x128xi32, #tpu.memory_space<vmem>> -> memref<128xi32, #tpu.memory_space<vmem>>
      %dma_start3A_325 = arith.constant 0 : i32
      %dma_start3A_326 = arith.constant 0 : i32
      %dma_start3A_327 = tpu.memref_slice %arg3[%dma_start3A_325, %dma_start3A_326] : memref<1000000x32xf32, #tpu.memory_space<hbm>> -> memref<1000000x32xf32, #tpu.memory_space<hbm>>
      tpu.enqueue_indirect_dma source(%dma_start3A_327 : memref<1000000x32xf32, #tpu.memory_space<hbm>>) target(%dma_start3A_321 : memref<128x32xf32, #tpu.memory_space<vmem>>) offsets(%dma_start3A_324 : memref<128xi32, #tpu.memory_space<vmem>>) semaphore(%arg9 : memref<!tpu.dma_semaphore, #tpu.memory_space<semaphore_mem>>)
      %dma_start3A_328 = arith.constant 3 : i32
      %dma_start3A_329 = arith.constant 384 : i32
      %dma_start3A_330 = arith.constant 0 : i32
      %dma_start3A_331 = tpu.memref_slice %arg7[%dma_start3A_329, %dma_start3A_330] : memref<512x32xf32, #tpu.memory_space<vmem>> -> memref<128x32xf32, #tpu.memory_space<vmem>>
      %dma_start3A_332 = arith.constant 0 : i32
      %dma_start3A_333 = tpu.memref_slice %arg5[%add3A_297, %dma_start3A_328, %dma_start3A_332] : memref<50x4x128xi32, #tpu.memory_space<vmem>> -> memref<1x1x128xi32, #tpu.memory_space<vmem>>
      %dma_start3A_334 = tpu.memref_squeeze %dma_start3A_333 : memref<1x1x128xi32, #tpu.memory_space<vmem>> -> memref<128xi32, #tpu.memory_space<vmem>>
      %dma_start3A_335 = arith.constant 0 : i32
      %dma_start3A_336 = arith.constant 0 : i32
      %dma_start3A_337 = tpu.memref_slice %arg3[%dma_start3A_335, %dma_start3A_336] : memref<1000000x32xf32, #tpu.memory_space<hbm>> -> memref<1000000x32xf32, #tpu.memory_space<hbm>>
      tpu.enqueue_indirect_dma source(%dma_start3A_337 : memref<1000000x32xf32, #tpu.memory_space<hbm>>) target(%dma_start3A_331 : memref<128x32xf32, #tpu.memory_space<vmem>>) offsets(%dma_start3A_334 : memref<128xi32, #tpu.memory_space<vmem>>) semaphore(%arg9 : memref<!tpu.dma_semaphore, #tpu.memory_space<semaphore_mem>>)
      %dma_wait3A_338 = arith.constant 0 : i32
      %dma_wait3A_339 = arith.constant 0 : i32
      %dma_wait3A_340 = arith.constant 0 : i32
      %dma_wait3A_341 = tpu.memref_slice %arg4[%dma_wait3A_338, %dma_wait3A_339, %dma_wait3A_340] : memref<50x16384x32xf32, #tpu.memory_space<hbm>> -> memref<1x512x32xf32, #tpu.memory_space<hbm>>
      %dma_wait3A_342 = tpu.memref_squeeze %dma_wait3A_341 : memref<1x512x32xf32, #tpu.memory_space<hbm>> -> memref<512x32xf32, #tpu.memory_space<hbm>>
      %dma_wait3A_343 = arith.constant 0 : i32
      %dma_wait3A_344 = arith.constant 0 : i32
      %dma_wait3A_345 = tpu.memref_slice %arg4[%dma_wait3A_338, %dma_wait3A_343, %dma_wait3A_344] : memref<50x16384x32xf32, #tpu.memory_space<hbm>> -> memref<1x512x32xf32, #tpu.memory_space<hbm>>
      %dma_wait3A_346 = tpu.memref_squeeze %dma_wait3A_345 : memref<1x512x32xf32, #tpu.memory_space<hbm>> -> memref<512x32xf32, #tpu.memory_space<hbm>>
      tpu.wait_dma2 semaphore(%arg8 : memref<!tpu.dma_semaphore, #tpu.memory_space<semaphore_mem>>) src(%dma_wait3A_346 : memref<512x32xf32, #tpu.memory_space<hbm>>) dst(%arg6 : memref<512x32xf32, #tpu.memory_space<vmem>>)
      %dma_start3A_347 = arith.constant 0 : i32
      %dma_start3A_348 = tpu.memref_slice %arg4[%mul3A_286, %mul3A_2, %dma_start3A_347] : memref<50x16384x32xf32, #tpu.memory_space<hbm>> -> memref<1x512x32xf32, #tpu.memory_space<hbm>>
      %dma_start3A_349 = tpu.memref_squeeze %dma_start3A_348 : memref<1x512x32xf32, #tpu.memory_space<hbm>> -> memref<512x32xf32, #tpu.memory_space<hbm>>
      %dma_start3A_350 = arith.constant 0 : i32
      %dma_start3A_351 = tpu.memref_slice %arg4[%mul3A_286, %mul3A_2, %dma_start3A_350] : memref<50x16384x32xf32, #tpu.memory_space<hbm>> -> memref<1x512x32xf32, #tpu.memory_space<hbm>>
      %dma_start3A_352 = tpu.memref_squeeze %dma_start3A_351 : memref<1x512x32xf32, #tpu.memory_space<hbm>> -> memref<512x32xf32, #tpu.memory_space<hbm>>
      tpu.enqueue_dma source(%arg6 : memref<512x32xf32, #tpu.memory_space<vmem>>) target(%dma_start3A_352 : memref<512x32xf32, #tpu.memory_space<hbm>>) target_semaphore(%arg10 : memref<!tpu.dma_semaphore, #tpu.memory_space<semaphore_mem>>)
      %dma_wait3A_353 = arith.constant 0 : i32
      %dma_wait3A_354 = arith.constant 0 : i32
      %dma_wait3A_355 = arith.constant 0 : i32
      %dma_wait3A_356 = tpu.memref_slice %arg4[%dma_wait3A_353, %dma_wait3A_354, %dma_wait3A_355] : memref<50x16384x32xf32, #tpu.memory_space<hbm>> -> memref<1x512x32xf32, #tpu.memory_space<hbm>>
      %dma_wait3A_357 = tpu.memref_squeeze %dma_wait3A_356 : memref<1x512x32xf32, #tpu.memory_space<hbm>> -> memref<512x32xf32, #tpu.memory_space<hbm>>
      %dma_wait3A_358 = arith.constant 0 : i32
      %dma_wait3A_359 = arith.constant 0 : i32
      %dma_wait3A_360 = tpu.memref_slice %arg4[%dma_wait3A_353, %dma_wait3A_358, %dma_wait3A_359] : memref<50x16384x32xf32, #tpu.memory_space<hbm>> -> memref<1x512x32xf32, #tpu.memory_space<hbm>>
      %dma_wait3A_361 = tpu.memref_squeeze %dma_wait3A_360 : memref<1x512x32xf32, #tpu.memory_space<hbm>> -> memref<512x32xf32, #tpu.memory_space<hbm>>
      tpu.wait_dma2 semaphore(%arg10 : memref<!tpu.dma_semaphore, #tpu.memory_space<semaphore_mem>>) src(%dma_wait3A_361 : memref<512x32xf32, #tpu.memory_space<hbm>>) dst(%arg6 : memref<512x32xf32, #tpu.memory_space<vmem>>)
      %add3A_362 = arith.constant 2 : i32
      %add3A_363 = arith.addi %mul3A_286, %add3A_362 : i32
      %dma_start3A_364 = arith.constant 0 : i32
      %dma_start3A_365 = arith.constant 0 : i32
      %dma_start3A_366 = arith.constant 0 : i32
      %dma_start3A_367 = tpu.memref_slice %arg6[%dma_start3A_365, %dma_start3A_366] : memref<512x32xf32, #tpu.memory_space<vmem>> -> memref<128x32xf32, #tpu.memory_space<vmem>>
      %dma_start3A_368 = arith.constant 0 : i32
      %dma_start3A_369 = tpu.memref_slice %arg5[%add3A_363, %dma_start3A_364, %dma_start3A_368] : memref<50x4x128xi32, #tpu.memory_space<vmem>> -> memref<1x1x128xi32, #tpu.memory_space<vmem>>
      %dma_start3A_370 = tpu.memref_squeeze %dma_start3A_369 : memref<1x1x128xi32, #tpu.memory_space<vmem>> -> memref<128xi32, #tpu.memory_space<vmem>>
      %dma_start3A_371 = arith.constant 0 : i32
      %dma_start3A_372 = arith.constant 0 : i32
      %dma_start3A_373 = tpu.memref_slice %arg3[%dma_start3A_371, %dma_start3A_372] : memref<1000000x32xf32, #tpu.memory_space<hbm>> -> memref<1000000x32xf32, #tpu.memory_space<hbm>>
      tpu.enqueue_indirect_dma source(%dma_start3A_373 : memref<1000000x32xf32, #tpu.memory_space<hbm>>) target(%dma_start3A_367 : memref<128x32xf32, #tpu.memory_space<vmem>>) offsets(%dma_start3A_370 : memref<128xi32, #tpu.memory_space<vmem>>) semaphore(%arg8 : memref<!tpu.dma_semaphore, #tpu.memory_space<semaphore_mem>>)
      %dma_start3A_374 = arith.constant 1 : i32
      %dma_start3A_375 = arith.constant 128 : i32
      %dma_start3A_376 = arith.constant 0 : i32
      %dma_start3A_377 = tpu.memref_slice %arg6[%dma_start3A_375, %dma_start3A_376] : memref<512x32xf32, #tpu.memory_space<vmem>> -> memref<128x32xf32, #tpu.memory_space<vmem>>
      %dma_start3A_378 = arith.constant 0 : i32
      %dma_start3A_379 = tpu.memref_slice %arg5[%add3A_363, %dma_start3A_374, %dma_start3A_378] : memref<50x4x128xi32, #tpu.memory_space<vmem>> -> memref<1x1x128xi32, #tpu.memory_space<vmem>>
      %dma_start3A_380 = tpu.memref_squeeze %dma_start3A_379 : memref<1x1x128xi32, #tpu.memory_space<vmem>> -> memref<128xi32, #tpu.memory_space<vmem>>
      %dma_start3A_381 = arith.constant 0 : i32
      %dma_start3A_382 = arith.constant 0 : i32
      %dma_start3A_383 = tpu.memref_slice %arg3[%dma_start3A_381, %dma_start3A_382] : memref<1000000x32xf32, #tpu.memory_space<hbm>> -> memref<1000000x32xf32, #tpu.memory_space<hbm>>
      tpu.enqueue_indirect_dma source(%dma_start3A_383 : memref<1000000x32xf32, #tpu.memory_space<hbm>>) target(%dma_start3A_377 : memref<128x32xf32, #tpu.memory_space<vmem>>) offsets(%dma_start3A_380 : memref<128xi32, #tpu.memory_space<vmem>>) semaphore(%arg8 : memref<!tpu.dma_semaphore, #tpu.memory_space<semaphore_mem>>)
      %dma_start3A_384 = arith.constant 2 : i32
      %dma_start3A_385 = arith.constant 256 : i32
      %dma_start3A_386 = arith.constant 0 : i32
      %dma_start3A_387 = tpu.memref_slice %arg6[%dma_start3A_385, %dma_start3A_386] : memref<512x32xf32, #tpu.memory_space<vmem>> -> memref<128x32xf32, #tpu.memory_space<vmem>>
      %dma_start3A_388 = arith.constant 0 : i32
      %dma_start3A_389 = tpu.memref_slice %arg5[%add3A_363, %dma_start3A_384, %dma_start3A_388] : memref<50x4x128xi32, #tpu.memory_space<vmem>> -> memref<1x1x128xi32, #tpu.memory_space<vmem>>
      %dma_start3A_390 = tpu.memref_squeeze %dma_start3A_389 : memref<1x1x128xi32, #tpu.memory_space<vmem>> -> memref<128xi32, #tpu.memory_space<vmem>>
      %dma_start3A_391 = arith.constant 0 : i32
      %dma_start3A_392 = arith.constant 0 : i32
      %dma_start3A_393 = tpu.memref_slice %arg3[%dma_start3A_391, %dma_start3A_392] : memref<1000000x32xf32, #tpu.memory_space<hbm>> -> memref<1000000x32xf32, #tpu.memory_space<hbm>>
      tpu.enqueue_indirect_dma source(%dma_start3A_393 : memref<1000000x32xf32, #tpu.memory_space<hbm>>) target(%dma_start3A_387 : memref<128x32xf32, #tpu.memory_space<vmem>>) offsets(%dma_start3A_390 : memref<128xi32, #tpu.memory_space<vmem>>) semaphore(%arg8 : memref<!tpu.dma_semaphore, #tpu.memory_space<semaphore_mem>>)
      %dma_start3A_394 = arith.constant 3 : i32
      %dma_start3A_395 = arith.constant 384 : i32
      %dma_start3A_396 = arith.constant 0 : i32
      %dma_start3A_397 = tpu.memref_slice %arg6[%dma_start3A_395, %dma_start3A_396] : memref<512x32xf32, #tpu.memory_space<vmem>> -> memref<128x32xf32, #tpu.memory_space<vmem>>
      %dma_start3A_398 = arith.constant 0 : i32
      %dma_start3A_399 = tpu.memref_slice %arg5[%add3A_363, %dma_start3A_394, %dma_start3A_398] : memref<50x4x128xi32, #tpu.memory_space<vmem>> -> memref<1x1x128xi32, #tpu.memory_space<vmem>>
      %dma_start3A_400 = tpu.memref_squeeze %dma_start3A_399 : memref<1x1x128xi32, #tpu.memory_space<vmem>> -> memref<128xi32, #tpu.memory_space<vmem>>
      %dma_start3A_401 = arith.constant 0 : i32
      %dma_start3A_402 = arith.constant 0 : i32
      %dma_start3A_403 = tpu.memref_slice %arg3[%dma_start3A_401, %dma_start3A_402] : memref<1000000x32xf32, #tpu.memory_space<hbm>> -> memref<1000000x32xf32, #tpu.memory_space<hbm>>
      tpu.enqueue_indirect_dma source(%dma_start3A_403 : memref<1000000x32xf32, #tpu.memory_space<hbm>>) target(%dma_start3A_397 : memref<128x32xf32, #tpu.memory_space<vmem>>) offsets(%dma_start3A_400 : memref<128xi32, #tpu.memory_space<vmem>>) semaphore(%arg8 : memref<!tpu.dma_semaphore, #tpu.memory_space<semaphore_mem>>)
      %dma_wait3A_404 = arith.constant 0 : i32
      %dma_wait3A_405 = arith.constant 0 : i32
      %dma_wait3A_406 = arith.constant 0 : i32
      %dma_wait3A_407 = tpu.memref_slice %arg4[%dma_wait3A_404, %dma_wait3A_405, %dma_wait3A_406] : memref<50x16384x32xf32, #tpu.memory_space<hbm>> -> memref<1x512x32xf32, #tpu.memory_space<hbm>>
      %dma_wait3A_408 = tpu.memref_squeeze %dma_wait3A_407 : memref<1x512x32xf32, #tpu.memory_space<hbm>> -> memref<512x32xf32, #tpu.memory_space<hbm>>
      %dma_wait3A_409 = arith.constant 0 : i32
      %dma_wait3A_410 = arith.constant 0 : i32
      %dma_wait3A_411 = tpu.memref_slice %arg4[%dma_wait3A_404, %dma_wait3A_409, %dma_wait3A_410] : memref<50x16384x32xf32, #tpu.memory_space<hbm>> -> memref<1x512x32xf32, #tpu.memory_space<hbm>>
      %dma_wait3A_412 = tpu.memref_squeeze %dma_wait3A_411 : memref<1x512x32xf32, #tpu.memory_space<hbm>> -> memref<512x32xf32, #tpu.memory_space<hbm>>
      tpu.wait_dma2 semaphore(%arg9 : memref<!tpu.dma_semaphore, #tpu.memory_space<semaphore_mem>>) src(%dma_wait3A_412 : memref<512x32xf32, #tpu.memory_space<hbm>>) dst(%arg7 : memref<512x32xf32, #tpu.memory_space<vmem>>)
      %add3A_413 = arith.constant 1 : i32
      %add3A_414 = arith.addi %mul3A_286, %add3A_413 : i32
      %dma_start3A_415 = arith.constant 0 : i32
      %dma_start3A_416 = tpu.memref_slice %arg4[%add3A_414, %mul3A_2, %dma_start3A_415] : memref<50x16384x32xf32, #tpu.memory_space<hbm>> -> memref<1x512x32xf32, #tpu.memory_space<hbm>>
      %dma_start3A_417 = tpu.memref_squeeze %dma_start3A_416 : memref<1x512x32xf32, #tpu.memory_space<hbm>> -> memref<512x32xf32, #tpu.memory_space<hbm>>
      %dma_start3A_418 = arith.constant 0 : i32
      %dma_start3A_419 = tpu.memref_slice %arg4[%add3A_414, %mul3A_2, %dma_start3A_418] : memref<50x16384x32xf32, #tpu.memory_space<hbm>> -> memref<1x512x32xf32, #tpu.memory_space<hbm>>
      %dma_start3A_420 = tpu.memref_squeeze %dma_start3A_419 : memref<1x512x32xf32, #tpu.memory_space<hbm>> -> memref<512x32xf32, #tpu.memory_space<hbm>>
      tpu.enqueue_dma source(%arg7 : memref<512x32xf32, #tpu.memory_space<vmem>>) target(%dma_start3A_420 : memref<512x32xf32, #tpu.memory_space<hbm>>) target_semaphore(%arg11 : memref<!tpu.dma_semaphore, #tpu.memory_space<semaphore_mem>>)
    }
    %scan3A_180 = arith.constant 23 : i32
    %dma_wait3A_181 = arith.constant 0 : i32
    %dma_wait3A_182 = arith.constant 0 : i32
    %dma_wait3A_183 = arith.constant 0 : i32
    %dma_wait3A_184 = tpu.memref_slice %arg4[%dma_wait3A_181, %dma_wait3A_182, %dma_wait3A_183] : memref<50x16384x32xf32, #tpu.memory_space<hbm>> -> memref<1x512x32xf32, #tpu.memory_space<hbm>>
    %dma_wait3A_185 = tpu.memref_squeeze %dma_wait3A_184 : memref<1x512x32xf32, #tpu.memory_space<hbm>> -> memref<512x32xf32, #tpu.memory_space<hbm>>
    %dma_wait3A_186 = arith.constant 0 : i32
    %dma_wait3A_187 = arith.constant 0 : i32
    %dma_wait3A_188 = tpu.memref_slice %arg4[%dma_wait3A_181, %dma_wait3A_186, %dma_wait3A_187] : memref<50x16384x32xf32, #tpu.memory_space<hbm>> -> memref<1x512x32xf32, #tpu.memory_space<hbm>>
    %dma_wait3A_189 = tpu.memref_squeeze %dma_wait3A_188 : memref<1x512x32xf32, #tpu.memory_space<hbm>> -> memref<512x32xf32, #tpu.memory_space<hbm>>
    tpu.wait_dma2 semaphore(%arg11 : memref<!tpu.dma_semaphore, #tpu.memory_space<semaphore_mem>>) src(%dma_wait3A_189 : memref<512x32xf32, #tpu.memory_space<hbm>>) dst(%arg7 : memref<512x32xf32, #tpu.memory_space<vmem>>)
    %dma_start3A_190 = arith.constant 49 : i32
    %dma_start3A_191 = arith.constant 0 : i32
    %dma_start3A_192 = arith.constant 0 : i32
    %dma_start3A_193 = arith.constant 0 : i32
    %dma_start3A_194 = tpu.memref_slice %arg7[%dma_start3A_192, %dma_start3A_193] : memref<512x32xf32, #tpu.memory_space<vmem>> -> memref<128x32xf32, #tpu.memory_space<vmem>>
    %dma_start3A_195 = arith.constant 0 : i32
    %dma_start3A_196 = tpu.memref_slice %arg5[%dma_start3A_190, %dma_start3A_191, %dma_start3A_195] : memref<50x4x128xi32, #tpu.memory_space<vmem>> -> memref<1x1x128xi32, #tpu.memory_space<vmem>>
    %dma_start3A_197 = tpu.memref_squeeze %dma_start3A_196 : memref<1x1x128xi32, #tpu.memory_space<vmem>> -> memref<128xi32, #tpu.memory_space<vmem>>
    %dma_start3A_198 = arith.constant 0 : i32
    %dma_start3A_199 = arith.constant 0 : i32
    %dma_start3A_200 = tpu.memref_slice %arg3[%dma_start3A_198, %dma_start3A_199] : memref<1000000x32xf32, #tpu.memory_space<hbm>> -> memref<1000000x32xf32, #tpu.memory_space<hbm>>
    tpu.enqueue_indirect_dma source(%dma_start3A_200 : memref<1000000x32xf32, #tpu.memory_space<hbm>>) target(%dma_start3A_194 : memref<128x32xf32, #tpu.memory_space<vmem>>) offsets(%dma_start3A_197 : memref<128xi32, #tpu.memory_space<vmem>>) semaphore(%arg9 : memref<!tpu.dma_semaphore, #tpu.memory_space<semaphore_mem>>)
    %dma_start3A_201 = arith.constant 49 : i32
    %dma_start3A_202 = arith.constant 1 : i32
    %dma_start3A_203 = arith.constant 128 : i32
    %dma_start3A_204 = arith.constant 0 : i32
    %dma_start3A_205 = tpu.memref_slice %arg7[%dma_start3A_203, %dma_start3A_204] : memref<512x32xf32, #tpu.memory_space<vmem>> -> memref<128x32xf32, #tpu.memory_space<vmem>>
    %dma_start3A_206 = arith.constant 0 : i32
    %dma_start3A_207 = tpu.memref_slice %arg5[%dma_start3A_201, %dma_start3A_202, %dma_start3A_206] : memref<50x4x128xi32, #tpu.memory_space<vmem>> -> memref<1x1x128xi32, #tpu.memory_space<vmem>>
    %dma_start3A_208 = tpu.memref_squeeze %dma_start3A_207 : memref<1x1x128xi32, #tpu.memory_space<vmem>> -> memref<128xi32, #tpu.memory_space<vmem>>
    %dma_start3A_209 = arith.constant 0 : i32
    %dma_start3A_210 = arith.constant 0 : i32
    %dma_start3A_211 = tpu.memref_slice %arg3[%dma_start3A_209, %dma_start3A_210] : memref<1000000x32xf32, #tpu.memory_space<hbm>> -> memref<1000000x32xf32, #tpu.memory_space<hbm>>
    tpu.enqueue_indirect_dma source(%dma_start3A_211 : memref<1000000x32xf32, #tpu.memory_space<hbm>>) target(%dma_start3A_205 : memref<128x32xf32, #tpu.memory_space<vmem>>) offsets(%dma_start3A_208 : memref<128xi32, #tpu.memory_space<vmem>>) semaphore(%arg9 : memref<!tpu.dma_semaphore, #tpu.memory_space<semaphore_mem>>)
    %dma_start3A_212 = arith.constant 49 : i32
    %dma_start3A_213 = arith.constant 2 : i32
    %dma_start3A_214 = arith.constant 256 : i32
    %dma_start3A_215 = arith.constant 0 : i32
    %dma_start3A_216 = tpu.memref_slice %arg7[%dma_start3A_214, %dma_start3A_215] : memref<512x32xf32, #tpu.memory_space<vmem>> -> memref<128x32xf32, #tpu.memory_space<vmem>>
    %dma_start3A_217 = arith.constant 0 : i32
    %dma_start3A_218 = tpu.memref_slice %arg5[%dma_start3A_212, %dma_start3A_213, %dma_start3A_217] : memref<50x4x128xi32, #tpu.memory_space<vmem>> -> memref<1x1x128xi32, #tpu.memory_space<vmem>>
    %dma_start3A_219 = tpu.memref_squeeze %dma_start3A_218 : memref<1x1x128xi32, #tpu.memory_space<vmem>> -> memref<128xi32, #tpu.memory_space<vmem>>
    %dma_start3A_220 = arith.constant 0 : i32
    %dma_start3A_221 = arith.constant 0 : i32
    %dma_start3A_222 = tpu.memref_slice %arg3[%dma_start3A_220, %dma_start3A_221] : memref<1000000x32xf32, #tpu.memory_space<hbm>> -> memref<1000000x32xf32, #tpu.memory_space<hbm>>
    tpu.enqueue_indirect_dma source(%dma_start3A_222 : memref<1000000x32xf32, #tpu.memory_space<hbm>>) target(%dma_start3A_216 : memref<128x32xf32, #tpu.memory_space<vmem>>) offsets(%dma_start3A_219 : memref<128xi32, #tpu.memory_space<vmem>>) semaphore(%arg9 : memref<!tpu.dma_semaphore, #tpu.memory_space<semaphore_mem>>)
    %dma_start3A_223 = arith.constant 49 : i32
    %dma_start3A_224 = arith.constant 3 : i32
    %dma_start3A_225 = arith.constant 384 : i32
    %dma_start3A_226 = arith.constant 0 : i32
    %dma_start3A_227 = tpu.memref_slice %arg7[%dma_start3A_225, %dma_start3A_226] : memref<512x32xf32, #tpu.memory_space<vmem>> -> memref<128x32xf32, #tpu.memory_space<vmem>>
    %dma_start3A_228 = arith.constant 0 : i32
    %dma_start3A_229 = tpu.memref_slice %arg5[%dma_start3A_223, %dma_start3A_224, %dma_start3A_228] : memref<50x4x128xi32, #tpu.memory_space<vmem>> -> memref<1x1x128xi32, #tpu.memory_space<vmem>>
    %dma_start3A_230 = tpu.memref_squeeze %dma_start3A_229 : memref<1x1x128xi32, #tpu.memory_space<vmem>> -> memref<128xi32, #tpu.memory_space<vmem>>
    %dma_start3A_231 = arith.constant 0 : i32
    %dma_start3A_232 = arith.constant 0 : i32
    %dma_start3A_233 = tpu.memref_slice %arg3[%dma_start3A_231, %dma_start3A_232] : memref<1000000x32xf32, #tpu.memory_space<hbm>> -> memref<1000000x32xf32, #tpu.memory_space<hbm>>
    tpu.enqueue_indirect_dma source(%dma_start3A_233 : memref<1000000x32xf32, #tpu.memory_space<hbm>>) target(%dma_start3A_227 : memref<128x32xf32, #tpu.memory_space<vmem>>) offsets(%dma_start3A_230 : memref<128xi32, #tpu.memory_space<vmem>>) semaphore(%arg9 : memref<!tpu.dma_semaphore, #tpu.memory_space<semaphore_mem>>)
    %dma_wait3A_234 = arith.constant 0 : i32
    %dma_wait3A_235 = arith.constant 0 : i32
    %dma_wait3A_236 = arith.constant 0 : i32
    %dma_wait3A_237 = tpu.memref_slice %arg4[%dma_wait3A_234, %dma_wait3A_235, %dma_wait3A_236] : memref<50x16384x32xf32, #tpu.memory_space<hbm>> -> memref<1x512x32xf32, #tpu.memory_space<hbm>>
    %dma_wait3A_238 = tpu.memref_squeeze %dma_wait3A_237 : memref<1x512x32xf32, #tpu.memory_space<hbm>> -> memref<512x32xf32, #tpu.memory_space<hbm>>
    %dma_wait3A_239 = arith.constant 0 : i32
    %dma_wait3A_240 = arith.constant 0 : i32
    %dma_wait3A_241 = tpu.memref_slice %arg4[%dma_wait3A_234, %dma_wait3A_239, %dma_wait3A_240] : memref<50x16384x32xf32, #tpu.memory_space<hbm>> -> memref<1x512x32xf32, #tpu.memory_space<hbm>>
    %dma_wait3A_242 = tpu.memref_squeeze %dma_wait3A_241 : memref<1x512x32xf32, #tpu.memory_space<hbm>> -> memref<512x32xf32, #tpu.memory_space<hbm>>
    tpu.wait_dma2 semaphore(%arg8 : memref<!tpu.dma_semaphore, #tpu.memory_space<semaphore_mem>>) src(%dma_wait3A_242 : memref<512x32xf32, #tpu.memory_space<hbm>>) dst(%arg6 : memref<512x32xf32, #tpu.memory_space<vmem>>)
    %dma_start3A_243 = arith.constant 48 : i32
    %dma_start3A_244 = arith.constant 0 : i32
    %dma_start3A_245 = tpu.memref_slice %arg4[%dma_start3A_243, %mul3A_2, %dma_start3A_244] : memref<50x16384x32xf32, #tpu.memory_space<hbm>> -> memref<1x512x32xf32, #tpu.memory_space<hbm>>
    %dma_start3A_246 = tpu.memref_squeeze %dma_start3A_245 : memref<1x512x32xf32, #tpu.memory_space<hbm>> -> memref<512x32xf32, #tpu.memory_space<hbm>>
    %dma_start3A_247 = arith.constant 0 : i32
    %dma_start3A_248 = tpu.memref_slice %arg4[%dma_start3A_243, %mul3A_2, %dma_start3A_247] : memref<50x16384x32xf32, #tpu.memory_space<hbm>> -> memref<1x512x32xf32, #tpu.memory_space<hbm>>
    %dma_start3A_249 = tpu.memref_squeeze %dma_start3A_248 : memref<1x512x32xf32, #tpu.memory_space<hbm>> -> memref<512x32xf32, #tpu.memory_space<hbm>>
    tpu.enqueue_dma source(%arg6 : memref<512x32xf32, #tpu.memory_space<vmem>>) target(%dma_start3A_249 : memref<512x32xf32, #tpu.memory_space<hbm>>) target_semaphore(%arg10 : memref<!tpu.dma_semaphore, #tpu.memory_space<semaphore_mem>>)
    %dma_wait3A_250 = arith.constant 0 : i32
    %dma_wait3A_251 = arith.constant 0 : i32
    %dma_wait3A_252 = arith.constant 0 : i32
    %dma_wait3A_253 = tpu.memref_slice %arg4[%dma_wait3A_250, %dma_wait3A_251, %dma_wait3A_252] : memref<50x16384x32xf32, #tpu.memory_space<hbm>> -> memref<1x512x32xf32, #tpu.memory_space<hbm>>
    %dma_wait3A_254 = tpu.memref_squeeze %dma_wait3A_253 : memref<1x512x32xf32, #tpu.memory_space<hbm>> -> memref<512x32xf32, #tpu.memory_space<hbm>>
    %dma_wait3A_255 = arith.constant 0 : i32
    %dma_wait3A_256 = arith.constant 0 : i32
    %dma_wait3A_257 = tpu.memref_slice %arg4[%dma_wait3A_250, %dma_wait3A_255, %dma_wait3A_256] : memref<50x16384x32xf32, #tpu.memory_space<hbm>> -> memref<1x512x32xf32, #tpu.memory_space<hbm>>
    %dma_wait3A_258 = tpu.memref_squeeze %dma_wait3A_257 : memref<1x512x32xf32, #tpu.memory_space<hbm>> -> memref<512x32xf32, #tpu.memory_space<hbm>>
    tpu.wait_dma2 semaphore(%arg9 : memref<!tpu.dma_semaphore, #tpu.memory_space<semaphore_mem>>) src(%dma_wait3A_258 : memref<512x32xf32, #tpu.memory_space<hbm>>) dst(%arg7 : memref<512x32xf32, #tpu.memory_space<vmem>>)
    %dma_start3A_259 = arith.constant 49 : i32
    %dma_start3A_260 = arith.constant 0 : i32
    %dma_start3A_261 = tpu.memref_slice %arg4[%dma_start3A_259, %mul3A_2, %dma_start3A_260] : memref<50x16384x32xf32, #tpu.memory_space<hbm>> -> memref<1x512x32xf32, #tpu.memory_space<hbm>>
    %dma_start3A_262 = tpu.memref_squeeze %dma_start3A_261 : memref<1x512x32xf32, #tpu.memory_space<hbm>> -> memref<512x32xf32, #tpu.memory_space<hbm>>
    %dma_start3A_263 = arith.constant 0 : i32
    %dma_start3A_264 = tpu.memref_slice %arg4[%dma_start3A_259, %mul3A_2, %dma_start3A_263] : memref<50x16384x32xf32, #tpu.memory_space<hbm>> -> memref<1x512x32xf32, #tpu.memory_space<hbm>>
    %dma_start3A_265 = tpu.memref_squeeze %dma_start3A_264 : memref<1x512x32xf32, #tpu.memory_space<hbm>> -> memref<512x32xf32, #tpu.memory_space<hbm>>
    tpu.enqueue_dma source(%arg7 : memref<512x32xf32, #tpu.memory_space<vmem>>) target(%dma_start3A_265 : memref<512x32xf32, #tpu.memory_space<hbm>>) target_semaphore(%arg11 : memref<!tpu.dma_semaphore, #tpu.memory_space<semaphore_mem>>)
    %dma_wait3A_266 = arith.constant 0 : i32
    %dma_wait3A_267 = arith.constant 0 : i32
    %dma_wait3A_268 = arith.constant 0 : i32
    %dma_wait3A_269 = tpu.memref_slice %arg4[%dma_wait3A_266, %dma_wait3A_267, %dma_wait3A_268] : memref<50x16384x32xf32, #tpu.memory_space<hbm>> -> memref<1x512x32xf32, #tpu.memory_space<hbm>>
    %dma_wait3A_270 = tpu.memref_squeeze %dma_wait3A_269 : memref<1x512x32xf32, #tpu.memory_space<hbm>> -> memref<512x32xf32, #tpu.memory_space<hbm>>
    %dma_wait3A_271 = arith.constant 0 : i32
    %dma_wait3A_272 = arith.constant 0 : i32
    %dma_wait3A_273 = tpu.memref_slice %arg4[%dma_wait3A_266, %dma_wait3A_271, %dma_wait3A_272] : memref<50x16384x32xf32, #tpu.memory_space<hbm>> -> memref<1x512x32xf32, #tpu.memory_space<hbm>>
    %dma_wait3A_274 = tpu.memref_squeeze %dma_wait3A_273 : memref<1x512x32xf32, #tpu.memory_space<hbm>> -> memref<512x32xf32, #tpu.memory_space<hbm>>
    tpu.wait_dma2 semaphore(%arg10 : memref<!tpu.dma_semaphore, #tpu.memory_space<semaphore_mem>>) src(%dma_wait3A_274 : memref<512x32xf32, #tpu.memory_space<hbm>>) dst(%arg6 : memref<512x32xf32, #tpu.memory_space<vmem>>)
    %dma_wait3A_275 = arith.constant 0 : i32
    %dma_wait3A_276 = arith.constant 0 : i32
    %dma_wait3A_277 = arith.constant 0 : i32
    %dma_wait3A_278 = tpu.memref_slice %arg4[%dma_wait3A_275, %dma_wait3A_276, %dma_wait3A_277] : memref<50x16384x32xf32, #tpu.memory_space<hbm>> -> memref<1x512x32xf32, #tpu.memory_space<hbm>>
    %dma_wait3A_279 = tpu.memref_squeeze %dma_wait3A_278 : memref<1x512x32xf32, #tpu.memory_space<hbm>> -> memref<512x32xf32, #tpu.memory_space<hbm>>
    %dma_wait3A_280 = arith.constant 0 : i32
    %dma_wait3A_281 = arith.constant 0 : i32
    %dma_wait3A_282 = tpu.memref_slice %arg4[%dma_wait3A_275, %dma_wait3A_280, %dma_wait3A_281] : memref<50x16384x32xf32, #tpu.memory_space<hbm>> -> memref<1x512x32xf32, #tpu.memory_space<hbm>>
    %dma_wait3A_283 = tpu.memref_squeeze %dma_wait3A_282 : memref<1x512x32xf32, #tpu.memory_space<hbm>> -> memref<512x32xf32, #tpu.memory_space<hbm>>
    tpu.wait_dma2 semaphore(%arg11 : memref<!tpu.dma_semaphore, #tpu.memory_space<semaphore_mem>>) src(%dma_wait3A_283 : memref<512x32xf32, #tpu.memory_space<hbm>>) dst(%arg7 : memref<512x32xf32, #tpu.memory_space<vmem>>)
    return
  }
}

</mosaic_0001>

<sc_bundles>
// kernel: _sc_gather.3.cloned.1.call-start
scs
__scs_entry_jumppad:
0x0: {  	(pc) =	sbr.rel $0x88, $3  }
0x1: {  	(tag) =	ssettag $0x0;
	lr =	simm.s32 $0x1  }
0x2: {  	[smem:$0x3F9F] =	sst lr;
	_ =	strace $0xD0000000  }
0x3: {  	_ = 	snop  }
0x4: {  	_ = 	snop  }
0x5: {  	_ = 	snop  }
0x6: {  	_ = 	snop  }
0x7: {  	_ = 	snop  }
__scs_overlays_trampoline_lowered:
0x8: {  	[smem:$0x3FAE] =	sst s0  }
0x9: {  	[smem:$0x3FAF] =	sst s1  }
0xa: {  	[smem:$0x3FB0] =	sst s2  }
0xb: {  	[smem:$0x3FB1] =	sst s3  }
0xc: {  	[smem:$0x3FB2] =	sst s4  }
0xd: {  	[smem:$0x3FB3] =	sst s5  }
0xe: {  	[smem:$0x3FB4] =	sst s6  }
0xf: {  	[smem:$0x3FB5] =	sst s7  }
0x10: {  	[smem:$0x3FB6] =	sst s8  }
0x11: {  	[smem:$0x3FB7] =	sst s9;
	s0 =	simm.s32 @!p0 $0x0  }
0x12: {  	s1 =	sld [smem:$0x3F9D];
	s0 =	simm.s32 @p0 $0x1  }
0x13: {  	[smem:$0x3FB8] =	sst s0;
	s0 =	simm.s32 @!p1 $0x0  }
0x14: {  	s2 =	sld [smem:$0x3F9C];
	s0 =	simm.s32 @p1 $0x1  }
0x15: {  	[smem:$0x3FB9] =	sst s0;
	s0 =	simm.s32 @!p2 $0x0  }
0x16: {  	s3 =	sld [smem:$0x3FDB];
	s0 =	simm.s32 @p2 $0x1  }
0x17: {  	s4 =	simm.s32 $0x1BF5;
	[smem:$0x3FBB] =	sst s0  }
0x18: {  	s0 =	sld [smem:$0x3F9E];
	_ =	swait.ge [sflag:s4], $0x0  }
0x19: {  	s7 =	sld [smem:$0x3F9F]  }
0x1a: {  	s8 =	sadd.s32 $0xFFFFE003, lr  }
0x1b: {  	s9 =	sadd.s32 $0xFFFFFEF7, lr;
	s5 =	simm.s32 $0xFFFFFFFF;
	p2 =	slt.u32 s8, $0xFFFFF086  }
0x1c: {  	p1 =	slt.u32 s9, $0xF7A;
	s5 =	simm.s32 @!p2 $0x0  }
0x1d: {  	s5 =	simm.s32 @p1 $0x1;
	p0 =	seq.s32 s7, s2  }
0x1e: {  	s7 =	smul.u32 @!p0 $0xF7A, s2;
	p2 =	seq.s32 @!p0 s5, $0x0  }
0x1f: {  	s9 =	smul.u32 $0xF7A, s1;
	s8 =	simm.s32 @!p0 $0x1BF5;
	p2 =	por !p2, p0  }
0x20: {  	[sflag:s8] =	ssyncset.s32 @!p0 $0xFFFFF086;
	s6 =	sadd.s32 @!p0 s3, s7;
	s7 =	simm.s32 @!p0 $0x108  }
0x21: {  	s3 =	sadd.s32 s3, s9;
	s6 =	sadd.s32 @!p0 $0x88, s6;
	s7 =	simm.s32 @p2 $0x1082  }
0x22: {  	[simem:s7], [sflag:s8] =	dma.local @!p0 [hbm:s6], $0xF7A  }
0x23: {  	s9 =	sor.u32 $0xD0000000, s2;
	s6 =	simm.s32 $0x108;
	_ =	swait.ge @!p0 [sflag:s8], $0x0  }
0x24: {  	s3 =	sadd.s32 $0x88, s3;
	s6 =	simm.s32 @!p1 $0x1082;
	[sflag:s4] =	ssyncset.s32 $0xFFFFF086  }
0x25: {  	[simem:s6], [sflag:s4] =	dma.local [hbm:s3], $0xF7A  }
0x26: {  	[smem:$0x3F9F] =	sst s1;
	(tag) =	ssettag s2;
	_ =	strace s9  }
0x27: {  	s1 =	sld [smem:$0x3FAF]  }
0x28: {  	s2 =	sld [smem:$0x3FB0]  }
0x29: {  	s4 =	sld [smem:$0x3FB2]  }
0x2a: {  	p0 =	seq.s32 s5, $0x0;
	s5 =	sld [smem:$0x3FB3]  }
0x2b: {  	s6 =	sld [smem:$0x3FB4]  }
0x2c: {  	s7 =	sld [smem:$0x3FB5]  }
0x2d: {  	s3 =	simm.s32 $0x108;
	s8 =	sld [smem:$0x3FB6]  }
0x2e: {  	s3 =	simm.s32 @!p0 $0x1082;
	s9 =	sld [smem:$0x3FB7]  }
0x2f: {  	lr =	sadd.s32 s0, s3;
	s0 =	sld [smem:$0x3FAE]  }
0x30: {  	s3 =	sld [smem:$0x3FB1]  }
0x31: {  	[smem:$0x3FBA] =	sst s10  }
0x32: {  	s10 =	sld [smem:$0x3FB8];
	_ =	sdelay $0x3  }
0x33: {  	p0 =	seq.s32 s10, $0x1;
	s10 =	sld [smem:$0x3FBA];
	_ =	sdelay $0x3  }
0x34: {  	[smem:$0x3FBA] =	sst s10  }
0x35: {  	s10 =	sld [smem:$0x3FB9];
	_ =	sdelay $0x3  }
0x36: {  	p1 =	seq.s32 s10, $0x1;
	s10 =	sld [smem:$0x3FBA];
	_ =	sdelay $0x3  }
0x37: {  	[smem:$0x3FBA] =	sst s10  }
0x38: {  	s10 =	sld [smem:$0x3FBB]  }
0x39: {  	_ = 	snop;
	(pc) =	sbr.ind lr, $3  }
0x3a: {  	_ = 	snop  }
0x3b: {  	_ = 	snop  }
0x3c: {  	p2 =	seq.s32 s10, $0x1;
	s10 =	sld [smem:$0x3FBA]  }
0x3d: {  	_ =	shalt  }
0x3e: {  	_ =	shalt  }
0x3f: {  	_ =	shalt  }
0x40: {  	_ =	shalt  }
0x41: {  	_ =	shalt  }
0x42: {  	_ =	shalt  }
0x43: {  	_ =	shalt  }
0x44: {  	_ =	shalt  }
0x45: {  	_ =	shalt  }
0x46: {  	_ =	shalt  }
0x47: {  	_ =	shalt  }
0x48: {  	_ =	shalt  }
0x49: {  	_ =	shalt  }
0x4a: {  	_ =	shalt  }
0x4b: {  	_ =	shalt  }
0x4c: {  	_ =	shalt  }
0x4d: {  	_ =	shalt  }
0x4e: {  	_ =	shalt  }
0x4f: {  	_ =	shalt  }
0x50: {  	_ =	shalt  }
0x51: {  	_ =	shalt  }
0x52: {  	_ =	shalt  }
0x53: {  	_ =	shalt  }
0x54: {  	_ =	shalt  }
0x55: {  	_ =	shalt  }
0x56: {  	_ =	shalt  }
0x57: {  	_ =	shalt  }
0x58: {  	_ =	shalt  }
0x59: {  	_ =	shalt  }
0x5a: {  	_ =	shalt  }
0x5b: {  	_ =	shalt  }
0x5c: {  	_ =	shalt  }
0x5d: {  	_ =	shalt  }
0x5e: {  	_ =	shalt  }
0x5f: {  	_ =	shalt  }
0x60: {  	_ =	shalt  }
0x61: {  	_ =	shalt  }
0x62: {  	_ =	shalt  }
0x63: {  	_ =	shalt  }
0x64: {  	_ =	shalt  }
0x65: {  	_ =	shalt  }
0x66: {  	_ =	shalt  }
0x67: {  	_ =	shalt  }
0x68: {  	_ =	shalt  }
0x69: {  	_ =	shalt  }
0x6a: {  	_ =	shalt  }
0x6b: {  	_ =	shalt  }
0x6c: {  	_ =	shalt  }
0x6d: {  	_ =	shalt  }
0x6e: {  	_ =	shalt  }
0x6f: {  	_ =	shalt  }
0x70: {  	_ =	shalt  }
0x71: {  	_ =	shalt  }
0x72: {  	_ =	shalt  }
0x73: {  	_ =	shalt  }
0x74: {  	_ =	shalt  }
0x75: {  	_ =	shalt  }
0x76: {  	_ =	shalt  }
0x77: {  	_ =	shalt  }
0x78: {  	_ =	shalt  }
0x79: {  	_ =	shalt  }
0x7a: {  	_ =	shalt  }
0x7b: {  	_ =	shalt  }
0x7c: {  	_ =	shalt  }
0x7d: {  	_ =	shalt  }
0x7e: {  	_ =	shalt  }
0x7f: {  	_ =	shalt  }
0x80: {  	_ =	shalt  }
0x81: {  	_ =	shalt  }
0x82: {  	_ =	shalt  }
0x83: {  	_ =	shalt  }
0x84: {  	_ =	shalt  }
0x85: {  	_ =	shalt  }
0x86: {  	_ =	shalt  }
0x87: {  	_ =	shalt  }
.Lfunc_end0:
.L_simem_size_0:
called_computation.1_lowered:
.L_overlay_start_0:
0x88: {  	s2 =	sld [smem:$0x3FD9]  }
0x89: {  	s3 =	sld [smem:$0x3FFE];
	_ =	sdelay $0x1  }
0x8a: {  	s1 =	srdreg.scid  }
0x8b: {  	s0 =	sand.u32 $0x1, s1  }
0x8c: {  	s17 =	sshll.u32 s0, $0xA;
	s2 =	sadd.s32 s3, s2  }
0x8d: {  	s2 =	sadd.s32 s2, s17  }
0x8e: {  	[smem:$0x3FC6] =	sst s2  }
0x8f: {  	_ = 	snop  }
0x90: {  	s2 =	sld [smem:$0x3FC9]  }
0x91: {  	s18 =	sld [smem:$0x3FD0];
	(tm) =	ssettm $0x1  }
0x92: {  	s4 =	sld [smem:$0x3FFB];
	_ =	sdelay $0x3  }
0x93: {  	_ =	strace s4  }
0x94: {  	s4 =	sld [smem:$0x3FFC];
	_ =	sdelay $0x3  }
0x95: {  	_ =	strace s4  }
0x96: {  	s4 =	sld [smem:$0x3FFD];
	_ =	sdelay $0x3  }
0x97: {  	_ =	strace s4  }
0x98: {  	_ =	strace $0x8FFFFFFF  }
0x99: {  	s19 =	sld [smem:$0x3FDB];
	_ =	sdelay $0x1  }
0x9a: {  	s5 =	simm.s32 $_scs_section_size  }
0x9b: {  	s6 =	simm.s32 $_size__tile_overlayer_lowered;
	s7 =	simm.s32 $_tile_overlayer_lowered  }
0x9c: {  	s22 =	simm.s32 $0x1BFF;
	s21 =	sshll.u32 s7, $0x1;
	s4 =	sadd.s32 s5, s19  }
0x9d: {  	s8 =	simm.s32 $0x0;
	s20 =	sshll.u32 s6, $0x1;
	s6 =	sadd.s32 s21, s4  }
0x9e: {  	[timem:s8], [sflag:s22] =	dma.local [hbm:s6], s20  }
0x9f: {  	_ =	swait.ge [sflag:s22], s20  }
0xa0: {  	s5 =	ssub.s32 $0x0, s20;
	[sflag:s22] =	ssyncset.done $0x0  }
0xa1: {  	[sflag:s22] =	ssyncadd.s32 s5;
	_ =	sdelay $0x1  }
0xa2: {  	s23 =	simm.s32 $0x1B8B  }
0xa3: {  	_ =	swait.ge [sflag:s23], $0x1  }
0xa4: {  	[sflag:s23] =	ssyncset.done $0x0  }
0xa5: {  	s25 =	simm.s32 $0x1B8E;
	s24 =	sld [smem:$0x3FFE];
	[sflag:s23] =	ssyncadd.s32 $0xFFFFFFFF  }
0xa6: {  	s26 =	simm.s32 $execute0_lowered;
	[smem:$0x3FD2] =	sst s25  }
0xa7: {  	s6 =	sshll.u32 s26, $0x1;
	_ =	strace $0x80000046;
	[dreg:$0x1] =	wrdreg $0xFFFFFFFF  }
0xa8: {  	s28 =	simm.s32 $_size_execute0_lowered;
	s4 =	sadd.s32 s4, s6;
	[dreg:$0x0] =	wrdreg $0x0  }
0xa9: {  	s6 =	sshll.u32 s28, $0x1;
	[dreg:$0x2] =	wrdreg s4  }
0xaa: {  	[dreg:$0x3] =	wrdreg s6  }
0xab: {  	[dreg:$0x4] =	wrdreg $0xC0  }
0xac: {  	_ =	task [dreg:s8], $0x5FFFF  }
0xad: {  	[dreg:$0x1] =	wrdreg $0xFFFFFFFF  }
0xae: {  	[dreg:$0x0] =	wrdreg $0x60  }
0xaf: {  	[dreg:$0x2] =	wrdreg s2  }
0xb0: {  	[dreg:$0x3] =	wrdreg s24  }
0xb1: {  	[dreg:$0x4] =	wrdreg s18  }
0xb2: {  	[dreg:$0x5] =	wrdreg $0x9  }
0xb3: {  	_ =	task.clear_ibuf [dreg:s8], $0x6FFFF;
	_ =	strace $0x90000046  }
0xb4: {  	s29 =	simm.s32 $0x9;
	_ =	strace $0x80000048  }
0xb5: {  	_ =	swait.ge [sflag:s29], $0x1  }
0xb6: {  	[sflag:s29] =	ssyncadd.s32 $0xFFFFFFFF  }
0xb7: {  	_ =	strace $0x90000048  }
0xb8: {  	_ =	sfence  }
0xb9: {  	s30 =	sld [smem:$0x0];
	_ =	sdelay $0x2  }
0xba: {  	s31 =	sshll.u32 s1, $0xD;
	s1 =	sshrl.u32 s1, $0x2  }
0xbb: {  	s3 =	sand.u32 $0x4000, s31;
	s1 =	sadd.s32 s1, s30  }
0xbc: {  	s0 =	sor.u32 s3, s0;
	s1 =	sshll.u32 s1, $0x11  }
0xbd: {  	s0 =	sor.u32 s1, s0  }
0xbe: {  	s0 =	sadd.s32 $0x8F2B, s0  }
0xbf: {  	[sflag:s0] =	ssyncadd.remote.s32 $0x1  }
0xc0: {  	_ =	sfence.sel $0xFFFF  }
0xc1: {  	[dreg:$0x0] =	wrdreg $0xFFFFFFFF;
	(pc) =	sbr.abs _section_cstart, $3  }
0xc2: {  	[dreg:$0x1] =	wrdreg $0xFFFFFFFF  }
0xc3: {  	_ =	task.clear_ibuf [dreg:s8], $0x2FFFF;
	_ =	strace $0x9FFFFFFF  }
0xc4: {  	(tm) =	ssettm $0x7FFFFFFF  }
0xc5: {  	_ =	shalt  }
tec
execute0_lowered:
.L_overlay_start_1:
0x0: {  	(tag) =	ssettag $0x1  }
0x1: {  	s0 =	rddreg [dreg:$0x0]  }
0x2: {  	s2 =	rddreg [dreg:$0x1]  }
0x3: {  	s1 =	rddreg [dreg:$0x2]  }
0x4: {  	s4 =	srdreg.scid;
	s3 =	simm.s32 $0x0;
	s9 =	stileid.u32  }
0x5: {  	s13 =	simm.s32 $0x200;
	s15 =	simm.s32 $0x5;
	s16 =	simm.s32 $0x80  }
0x6: {  	s17 =	simm.s32 $0x6400;
	s18 =	simm.s32 $0x7400;
	s20 =	simm.s32 $0x8400  }
0x7: {  	s28 =	simm.s32 $0xC400;
	s30 =	simm.s32 $0xD400;
	s31 =	simm.s32 $0x1  }
0x8: {  	s5 =	sand.u32 $0x1, s4;
	[smem:$0x7FF] =	sst s3;
	s8 =	sshll.u32 s9, $0x1  }
0x9: {  	s4 =	sadd.s32 $0xF42C00, s2;
	s24 =	sshll.u32 s9, $0xF;
	s6 =	ssub.s32 $0x2, s5  }
0xa: {  	_ =	strace $0x80000047;
	s22 =	sor.u32 s5, s8;
	s25 =	sshll.u32 s5, $0xE  }
0xb: {  	s7 =	sshrl.u32 s6, $0x1;
	s23 =	sshll.u32 s22, $0xB;
	s11 =	sor.u32 s25, s24  }
0xc: {  	s25 =	simm.s32 $0xB400;
	s24 =	simm.s32 $0x2;
	s21 =	ssub.s32 s6, s7  }
0xd: {  	s6 =	sshll.u32 s22, $0x6;
	s5 =	sadd.s32 s1, s23;
	s29 =	sor.u32 $0x180000, s11  }
0xe: {  	s11 =	sor.u32 $0x100000, s11;
	s22 =	simm.s32 $0x9400;
	s23 =	simm.s32 $0xA400  }
0xf: {  	s0 =	sadd.s32 s0, s6;
	s26 =	sadd.s32 $0x10000, s5;
	s8 =	sadd.s32 $0x300000, s5  }
0x10: {  	s9 =	sadd.s32 $0x310000, s5;
	s10 =	smax.u32 s21, $0x1;
	[dreg:$0x4] =	wrdreg s0  }
0x11: {  	s21 =	simm.s32 $0x0;
	[dreg:$0x5] =	wrdreg s26;
	s0 =	sshrl.u32 s29, $0x3  }
0x12: {  	s26 =	simm.s32 $0x4;
	s19 =	sadd.s32 s0, s1;
	s0 =	simm.s32 $0x3  }
.LBB2_1:
0x13: {  	s2 =	rddreg [dreg:$0x4];
	s6 =	simm.s32 $0x4000  }
0x14: {  	[tilespmem:s3], [sflag:$0x5] =	stream.strided.gather [hbm4b:s2+s13], $0x6400, s6, s13, $0x38;
	[tilespmem:$0xE400] =	vst v63  }
0x15: {  	_ =	swait.ge [sflag:s15], $0x6400  }
0x16: {  	[sflag:s15] =	ssyncset.done $0x0  }
0x17: {  	[sflag:s15] =	ssyncadd.s32 $0xFFFF9C00  }
0x18: {  	[tilespmem:s17], [sflag:$0x1] =	stream.indirect.gather [hbm4b:s4+s16], $0x20, s3, s16, $0xb8;
	[tilespmem:$0xE400] =	vst v63  }
0x19: {  	_ = 	snop  }
0x1a: {  	[tilespmem:s18], [sflag:$0x1] =	stream.indirect.gather [hbm4b:s4+s16], $0x20, s16, s16, $0xb8;
	[tilespmem:$0xE400] =	vst v63  }
0x1b: {  	s7 =	simm.s32 $0x100  }
0x1c: {  	[tilespmem:s20], [sflag:$0x1] =	stream.indirect.gather [hbm4b:s4+s16], $0x20, s7, s16, $0xb8;
	[tilespmem:$0xE400] =	vst v63  }
0x1d: {  	s12 =	simm.s32 $0x180  }
0x1e: {  	[tilespmem:s22], [sflag:$0x1] =	stream.indirect.gather [hbm4b:s4+s16], $0x20, s12, s16, $0xb8;
	[tilespmem:$0xE400] =	vst v63  }
0x1f: {  	_ = 	snop  }
0x20: {  	[tilespmem:s23], [sflag:$0x2] =	stream.indirect.gather [hbm4b:s4+s16], $0x20, s13, s16, $0xb8;
	[tilespmem:$0xE400] =	vst v63  }
0x21: {  	s14 =	simm.s32 $0x280  }
0x22: {  	[tilespmem:s25], [sflag:$0x2] =	stream.indirect.gather [hbm4b:s4+s16], $0x20, s14, s16, $0xb8;
	[tilespmem:$0xE400] =	vst v63  }
0x23: {  	s6 =	simm.s32 $0x300  }
0x24: {  	[tilespmem:s28], [sflag:$0x2] =	stream.indirect.gather [hbm4b:s4+s16], $0x20, s6, s16, $0xb8;
	[tilespmem:$0xE400] =	vst v63  }
0x25: {  	s7 =	simm.s32 $0x380  }
0x26: {  	[tilespmem:s30], [sflag:$0x2] =	stream.indirect.gather [hbm4b:s4+s16], $0x20, s7, s16, $0xb8;
	[tilespmem:$0xE400] =	vst v63  }
0x27: {  	_ =	swait.ge [sflag:s31], $0x4000  }
0x28: {  	[sflag:s31] =	ssyncset.done $0x0  }
0x29: {  	[sflag:s31] =	ssyncadd.s32 $0xFFFFC000  }
0x2a: {  	[hbm4b:s5+s3] =	stream.linear.scatter [tilespmem:s17], [sflag:$0x3], $0x4000, $0x38;
	[tilespmem:$0xE400] =	vst v63  }
0x2b: {  	_ =	swait.ge [sflag:s0], $0x4000  }
0x2c: {  	[sflag:s0] =	ssyncset.done $0x0  }
0x2d: {  	s12 =	simm.s32 $0x400;
	[sflag:s0] =	ssyncadd.s32 $0xFFFFC000  }
0x2e: {  	[tilespmem:s17], [sflag:$0x1] =	stream.indirect.gather [hbm4b:s4+s16], $0x20, s12, s16, $0xb8;
	[tilespmem:$0xE400] =	vst v63  }
0x2f: {  	s14 =	simm.s32 $0x480  }
0x30: {  	[tilespmem:s18], [sflag:$0x1] =	stream.indirect.gather [hbm4b:s4+s16], $0x20, s14, s16, $0xb8;
	[tilespmem:$0xE400] =	vst v63  }
0x31: {  	s6 =	simm.s32 $0x500  }
0x32: {  	[tilespmem:s20], [sflag:$0x1] =	stream.indirect.gather [hbm4b:s4+s16], $0x20, s6, s16, $0xb8;
	[tilespmem:$0xE400] =	vst v63  }
0x33: {  	s7 =	simm.s32 $0x580  }
0x34: {  	[tilespmem:s22], [sflag:$0x1] =	stream.indirect.gather [hbm4b:s4+s16], $0x20, s7, s16, $0xb8;
	[tilespmem:$0xE400] =	vst v63  }
0x35: {  	_ =	swait.ge [sflag:s24], $0x4000  }
0x36: {  	[sflag:s24] =	ssyncset.done $0x0  }
0x37: {  	s12 =	rddreg [dreg:$0x5];
	[sflag:s24] =	ssyncadd.s32 $0xFFFFC000  }
0x38: {  	[hbm4b:s12+s3] =	stream.linear.scatter [tilespmem:s23], [sflag:$0x4], $0x4000, $0x38;
	[tilespmem:$0xE400] =	vst v63  }
0x39: {  	_ =	swait.ge [sflag:s26], $0x4000  }
0x3a: {  	[sflag:s26] =	ssyncset.done $0x0  }
0x3b: {  	s14 =	simm.s32 $0x600;
	[sflag:s26] =	ssyncadd.s32 $0xFFFFC000  }
0x3c: {  	[tilespmem:s23], [sflag:$0x2] =	stream.indirect.gather [hbm4b:s4+s16], $0x20, s14, s16, $0xb8;
	[tilespmem:$0xE400] =	vst v63  }
0x3d: {  	s6 =	simm.s32 $0x680  }
0x3e: {  	[tilespmem:s25], [sflag:$0x2] =	stream.indirect.gather [hbm4b:s4+s16], $0x20, s6, s16, $0xb8;
	[tilespmem:$0xE400] =	vst v63  }
0x3f: {  	s7 =	simm.s32 $0x700  }
0x40: {  	[tilespmem:s28], [sflag:$0x2] =	stream.indirect.gather [hbm4b:s4+s16], $0x20, s7, s16, $0xb8;
	[tilespmem:$0xE400] =	vst v63  }
0x41: {  	s12 =	simm.s32 $0x780  }
0x42: {  	[tilespmem:s30], [sflag:$0x2] =	stream.indirect.gather [hbm4b:s4+s16], $0x20, s12, s16, $0xb8;
	[tilespmem:$0xE400] =	vst v63  }
0x43: {  	_ =	swait.ge [sflag:s31], $0x4000  }
0x44: {  	s14 =	sshrl.u32 s11, $0x3;
	[sflag:s31] =	ssyncset.done $0x0  }
0x45: {  	s2 =	sadd.s32 s1, s14;
	[sflag:s31] =	ssyncadd.s32 $0xFFFFC000  }
0x46: {  	[hbm4b:s2+s3] =	stream.linear.scatter [tilespmem:s17], [sflag:$0x3], $0x4000, $0x38;
	[tilespmem:$0xE400] =	vst v63  }
0x47: {  	_ =	swait.ge [sflag:s0], $0x4000  }
0x48: {  	[sflag:s0] =	ssyncset.done $0x0  }
0x49: {  	s6 =	simm.s32 $0x800;
	[sflag:s0] =	ssyncadd.s32 $0xFFFFC000  }
0x4a: {  	[tilespmem:s17], [sflag:$0x1] =	stream.indirect.gather [hbm4b:s4+s16], $0x20, s6, s16, $0xb8;
	[tilespmem:$0xE400] =	vst v63  }
0x4b: {  	s7 =	simm.s32 $0x880  }
0x4c: {  	[tilespmem:s18], [sflag:$0x1] =	stream.indirect.gather [hbm4b:s4+s16], $0x20, s7, s16, $0xb8;
	[tilespmem:$0xE400] =	vst v63  }
0x4d: {  	s12 =	simm.s32 $0x900  }
0x4e: {  	[tilespmem:s20], [sflag:$0x1] =	stream.indirect.gather [hbm4b:s4+s16], $0x20, s12, s16, $0xb8;
	[tilespmem:$0xE400] =	vst v63  }
0x4f: {  	s14 =	simm.s32 $0x980  }
0x50: {  	[tilespmem:s22], [sflag:$0x1] =	stream.indirect.gather [hbm4b:s4+s16], $0x20, s14, s16, $0xb8;
	[tilespmem:$0xE400] =	vst v63  }
0x51: {  	_ =	swait.ge [sflag:s24], $0x4000  }
0x52: {  	s29 =	simm.s32 $0x1000;
	s2 =	sadd.s32 $0x100000, s11;
	[sflag:s24] =	ssyncset.done $0x0  }
0x53: {  	s12 =	smov.u32 s19;
	s14 =	sadd.s32 $0x20000, s19;
	[sflag:s24] =	ssyncadd.s32 $0xFFFFC000  }
.LBB2_2:
0x54: {  	[hbm4b:s12+s3] =	stream.linear.scatter [tilespmem:s23], [sflag:$0x4], $0x4000, $0x38;
	[tilespmem:$0xE400] =	vst v63  }
0x55: {  	s6 =	smov.u32 s29;
	s12 =	smov.u32 s14  }
0x56: {  	p0 =	sne.s32 s29, $0x16000;
	s29 =	sadd.s32 $0x1000, s29;
	_ =	swait.ge [sflag:s26], $0x4000  }
0x57: {  	s6 =	sshra.s32 s6, $0x2;
	[sflag:s26] =	ssyncset.done $0x0  }
0x58: {  	s7 =	sadd.s32 $0x600, s6;
	[sflag:s26] =	ssyncadd.s32 $0xFFFFC000  }
0x59: {  	[tilespmem:s23], [sflag:$0x2] =	stream.indirect.gather [hbm4b:s4+s16], $0x20, s7, s16, $0xb8;
	[tilespmem:$0xE400] =	vst v63  }
0x5a: {  	s7 =	sadd.s32 $0x680, s6  }
0x5b: {  	[tilespmem:s25], [sflag:$0x2] =	stream.indirect.gather [hbm4b:s4+s16], $0x20, s7, s16, $0xb8;
	[tilespmem:$0xE400] =	vst v63  }
0x5c: {  	s7 =	sadd.s32 $0x700, s6  }
0x5d: {  	[tilespmem:s28], [sflag:$0x2] =	stream.indirect.gather [hbm4b:s4+s16], $0x20, s7, s16, $0xb8;
	[tilespmem:$0xE400] =	vst v63  }
0x5e: {  	s7 =	sadd.s32 $0x780, s6  }
0x5f: {  	[tilespmem:s30], [sflag:$0x2] =	stream.indirect.gather [hbm4b:s4+s16], $0x20, s7, s16, $0xb8;
	[tilespmem:$0xE400] =	vst v63  }
0x60: {  	_ =	swait.ge [sflag:s31], $0x4000  }
0x61: {  	s7 =	sshrl.u32 s2, $0x3;
	[sflag:s31] =	ssyncset.done $0x0  }
0x62: {  	s7 =	sadd.s32 s1, s7;
	[sflag:s31] =	ssyncadd.s32 $0xFFFFC000  }
0x63: {  	[hbm4b:s7+s3] =	stream.linear.scatter [tilespmem:s17], [sflag:$0x3], $0x4000, $0x38;
	[tilespmem:$0xE400] =	vst v63  }
0x64: {  	_ =	swait.ge [sflag:s0], $0x4000  }
0x65: {  	[sflag:s0] =	ssyncset.done $0x0  }
0x66: {  	s7 =	sadd.s32 $0x800, s6;
	[sflag:s0] =	ssyncadd.s32 $0xFFFFC000  }
0x67: {  	[tilespmem:s17], [sflag:$0x1] =	stream.indirect.gather [hbm4b:s4+s16], $0x20, s7, s16, $0xb8;
	[tilespmem:$0xE400] =	vst v63  }
0x68: {  	s7 =	sadd.s32 $0x880, s6  }
0x69: {  	[tilespmem:s18], [sflag:$0x1] =	stream.indirect.gather [hbm4b:s4+s16], $0x20, s7, s16, $0xb8;
	[tilespmem:$0xE400] =	vst v63  }
0x6a: {  	s7 =	sadd.s32 $0x900, s6  }
0x6b: {  	[tilespmem:s20], [sflag:$0x1] =	stream.indirect.gather [hbm4b:s4+s16], $0x20, s7, s16, $0xb8;
	[tilespmem:$0xE400] =	vst v63  }
.Ltmp0:
0x6c: {  	s6 =	sadd.s32 $0x980, s6;
	(pc) =	sbr.rel @p0 .LBB2_2-.Ltmp0, $4  }
0x6d: {  	[tilespmem:s22], [sflag:$0x1] =	stream.indirect.gather [hbm4b:s4+s16], $0x20, s6, s16, $0xb8;
	[tilespmem:$0xE400] =	vst v63  }
0x6e: {  	_ =	swait.ge [sflag:s24], $0x4000  }
0x6f: {  	[sflag:s24] =	ssyncset.done $0x0  }
0x70: {  	s14 =	sadd.s32 $0x20000, s14;
	s2 =	sadd.s32 $0x100000, s2;
	[sflag:s24] =	ssyncadd.s32 $0xFFFFC000  }
0x71: {  	[hbm4b:s12+s3] =	stream.linear.scatter [tilespmem:s23], [sflag:$0x4], $0x4000, $0x38;
	[tilespmem:$0xE400] =	vst v63  }
0x72: {  	_ =	swait.ge [sflag:s26], $0x4000  }
0x73: {  	[sflag:s26] =	ssyncset.done $0x0  }
0x74: {  	s2 =	simm.s32 $0x6200;
	[sflag:s26] =	ssyncadd.s32 $0xFFFFC000  }
0x75: {  	[tilespmem:s23], [sflag:$0x2] =	stream.indirect.gather [hbm4b:s4+s16], $0x20, s2, s16, $0xb8;
	[tilespmem:$0xE400] =	vst v63  }
0x76: {  	s12 =	simm.s32 $0x6280  }
0x77: {  	[tilespmem:s25], [sflag:$0x2] =	stream.indirect.gather [hbm4b:s4+s16], $0x20, s12, s16, $0xb8;
	[tilespmem:$0xE400] =	vst v63  }
0x78: {  	s14 =	simm.s32 $0x6300  }
0x79: {  	[tilespmem:s28], [sflag:$0x2] =	stream.indirect.gather [hbm4b:s4+s16], $0x20, s14, s16, $0xb8;
	[tilespmem:$0xE400] =	vst v63  }
0x7a: {  	s29 =	simm.s32 $0x6380  }
0x7b: {  	[tilespmem:s30], [sflag:$0x2] =	stream.indirect.gather [hbm4b:s4+s16], $0x20, s29, s16, $0xb8;
	[tilespmem:$0xE400] =	vst v63  }
0x7c: {  	_ =	swait.ge [sflag:s31], $0x4000  }
0x7d: {  	[sflag:s31] =	ssyncset.done $0x0  }
0x7e: {  	[sflag:s31] =	ssyncadd.s32 $0xFFFFC000  }
0x7f: {  	[hbm4b:s8+s3] =	stream.linear.scatter [tilespmem:s17], [sflag:$0x3], $0x4000, $0x38;
	[tilespmem:$0xE400] =	vst v63  }
0x80: {  	_ =	swait.ge [sflag:s24], $0x4000  }
0x81: {  	[sflag:s24] =	ssyncset.done $0x0  }
0x82: {  	s21 =	sadd.s32 $0x1, s21;
	[sflag:s24] =	ssyncadd.s32 $0xFFFFC000  }
0x83: {  	[hbm4b:s9+s3] =	stream.linear.scatter [tilespmem:s23], [sflag:$0x4], $0x4000, $0x38;
	[tilespmem:$0xE400] =	vst v63  }
0x84: {  	p0 =	sne.s32 s21, s10;
	_ =	swait.ge [sflag:s0], $0x4000  }
.Ltmp1:
0x85: {  	[sflag:s0] =	ssyncset.done $0x0;
	(pc) =	sbr.rel @p0 .LBB2_1-.Ltmp1, $4  }
0x86: {  	[sflag:s0] =	ssyncadd.s32 $0xFFFFC000  }
0x87: {  	_ =	swait.ge [sflag:s26], $0x4000  }
0x88: {  	[sflag:s26] =	ssyncset.done $0x0  }
0x89: {  	[sflag:s26] =	ssyncadd.s32 $0xFFFFC000  }
0x8a: {  	_ =	sfence.sel $0x180000  }
0x8b: {  	[bflag:$0x0] =	sbarrier.arrive $0xFFFF  }
0x8c: {  	_ =	strace $0x90000047  }
0x8d: {  	s0 =	stileid.u32;
	[bflag:$0x2] =	sbarrier.arrive $0xFFFF  }
0x8e: {  	p0 =	sne.s32 s0, $0x0;
	s0 =	rddreg [dreg:$0x3]  }
0x8f: {  	s0 =	sadd.s32 @!p0 $0x100000, s0  }
0x90: {  	[sflag:s0] =	ssyncadd.tile.s32 @!p0 $0x1;
	_ =	shalt  }
.Lfunc_end2:
_tile_overlayer_lowered:
.L_overlay_start_2:
0x91: {  	(tag) =	ssettag $0x2  }
0x92: {  	s0 =	rddreg [dreg:$0x0];
	s2 =	stileid.u32  }
0x93: {  	s1 =	rddreg [dreg:$0x1];
	p0 =	sne.s32 s2, $0x0  }
0x94: {  	s3 =	rddreg [dreg:$0x2];
	[bflag:$0x3] =	sbarrier.arrive $0xFFFF;
	s2 =	simm.s32 @!p0 $0x1C05  }
0x95: {  	[timem:s3], [sflag:s2] =	dma.local @!p0 [hbm:s0], s1  }
0x96: {  	s0 =	simm.s32 @!p0 $0x5  }
0x97: {  	_ =	swait.ge @!p0 [sflag:s0], s1  }
0x98: {  	s1 =	ssub.s32 @!p0 $0x0, s1;
	[sflag:s0] =	ssyncset.done @!p0 $0x0  }
0x99: {  	[sflag:s0] =	ssyncadd.s32 @!p0 s1  }
0x9a: {  	[bflag:$0x3] =	sbarrier.arrive $0xFFFF  }
0x9b: {  	_ =	shalt  }

// kernel: sparse-core-data-format-call.cloned.1.call-start
scs
called_computation_lowered:
.L_overlay_start_0:
0x0: {  	s2 =	sld [smem:$0x3FD9]  }
0x1: {  	s3 =	sld [smem:$0x3FFE];
	_ =	sdelay $0x1  }
0x2: {  	s1 =	srdreg.scid  }
0x3: {  	s0 =	sand.u32 $0x1, s1  }
0x4: {  	s18 =	sshll.u32 s0, $0xA;
	s2 =	sadd.s32 s3, s2  }
0x5: {  	s2 =	sadd.s32 s2, s18  }
0x6: {  	[smem:$0x3FC6] =	sst s2  }
0x7: {  	_ = 	snop  }
0x8: {  	s2 =	sld [smem:$0x3FD0];
	(tm) =	ssettm $0x1  }
0x9: {  	s19 =	sld [smem:$0x3FFB];
	_ =	sdelay $0x3  }
0xa: {  	_ =	strace s19  }
0xb: {  	s3 =	sld [smem:$0x3FFC];
	_ =	sdelay $0x3  }
0xc: {  	_ =	strace s3  }
0xd: {  	s3 =	sld [smem:$0x3FFD];
	_ =	sdelay $0x3  }
0xe: {  	_ =	strace s3  }
0xf: {  	_ =	strace $0x8FFFFFFF  }
0x10: {  	s20 =	sld [smem:$0x3FDB];
	_ =	sdelay $0x1  }
0x11: {  	s4 =	simm.s32 $_scs_section_size  }
0x12: {  	s5 =	simm.s32 $_size__tile_overlayer_lowered;
	s6 =	simm.s32 $_tile_overlayer_lowered  }
0x13: {  	s23 =	simm.s32 $0x1BFF;
	s22 =	sshll.u32 s6, $0x1;
	s3 =	sadd.s32 s4, s20  }
0x14: {  	s7 =	simm.s32 $0x0;
	s21 =	sshll.u32 s5, $0x1;
	s5 =	sadd.s32 s22, s3  }
0x15: {  	[timem:s7], [sflag:s23] =	dma.local [hbm:s5], s21  }
0x16: {  	_ =	swait.ge [sflag:s23], s21  }
0x17: {  	s4 =	ssub.s32 $0x0, s21;
	[sflag:s23] =	ssyncset.done $0x0  }
0x18: {  	[sflag:s23] =	ssyncadd.s32 s4;
	_ =	sdelay $0x1  }
0x19: {  	s24 =	simm.s32 $0x1B8B  }
0x1a: {  	_ =	swait.ge [sflag:s24], $0x1  }
0x1b: {  	[sflag:s24] =	ssyncset.done $0x0  }
0x1c: {  	s26 =	simm.s32 $0x1B8E;
	s25 =	sld [smem:$0x3FFE];
	[sflag:s24] =	ssyncadd.s32 $0xFFFFFFFF  }
0x1d: {  	s27 =	simm.s32 $execute0_lowered;
	[smem:$0x3FD2] =	sst s26  }
0x1e: {  	s5 =	sshll.u32 s27, $0x1;
	_ =	strace $0x80000049;
	[dreg:$0x1] =	wrdreg $0xFFFFFFFF  }
0x1f: {  	s28 =	simm.s32 $_size_execute0_lowered;
	s3 =	sadd.s32 s3, s5;
	[dreg:$0x0] =	wrdreg $0x0  }
0x20: {  	s5 =	sshll.u32 s28, $0x1;
	[dreg:$0x2] =	wrdreg s3  }
0x21: {  	[dreg:$0x3] =	wrdreg s5  }
0x22: {  	[dreg:$0x4] =	wrdreg $0xC0  }
0x23: {  	_ =	task [dreg:s7], $0x5FFFF  }
0x24: {  	[dreg:$0x1] =	wrdreg $0xFFFFFFFF  }
0x25: {  	[dreg:$0x0] =	wrdreg $0x60  }
0x26: {  	[dreg:$0x2] =	wrdreg s25  }
0x27: {  	[dreg:$0x3] =	wrdreg s2  }
0x28: {  	[dreg:$0x4] =	wrdreg $0x9  }
0x29: {  	_ =	task.clear_ibuf [dreg:s7], $0x5FFFF;
	_ =	strace $0x90000049  }
0x2a: {  	s29 =	simm.s32 $0x9;
	_ =	strace $0x8000004B  }
0x2b: {  	_ =	swait.ge [sflag:s29], $0x1  }
0x2c: {  	[sflag:s29] =	ssyncadd.s32 $0xFFFFFFFF  }
0x2d: {  	_ =	strace $0x9000004B  }
0x2e: {  	_ =	sfence  }
0x2f: {  	s30 =	sld [smem:$0x0];
	_ =	sdelay $0x2  }
0x30: {  	s31 =	sshll.u32 s1, $0xD;
	s1 =	sshrl.u32 s1, $0x2  }
0x31: {  	s3 =	sand.u32 $0x4000, s31;
	s1 =	sadd.s32 s1, s30  }
0x32: {  	s0 =	sor.u32 s3, s0;
	s1 =	sshll.u32 s1, $0x11  }
0x33: {  	s0 =	sor.u32 s1, s0  }
0x34: {  	s0 =	sadd.s32 $0x8F2B, s0  }
0x35: {  	[sflag:s0] =	ssyncadd.remote.s32 $0x1  }
0x36: {  	_ =	sfence.sel $0xFFFF  }
0x37: {  	[dreg:$0x0] =	wrdreg $0xFFFFFFFF;
	(pc) =	sbr.abs _section_cstart, $3  }
0x38: {  	[dreg:$0x1] =	wrdreg $0xFFFFFFFF  }
0x39: {  	_ =	task.clear_ibuf [dreg:s7], $0x2FFFF;
	_ =	strace $0x9FFFFFFF  }
0x3a: {  	(tm) =	ssettm $0x7FFFFFFF  }
0x3b: {  	_ =	shalt  }
tec
execute0_lowered:
.L_overlay_start_1:
0x0: {  	(tag) =	ssettag $0x1  }
0x1: {  	s0 =	srdreg.scid  }
0x2: {  	s1 =	sshll.u32 s0, $0x4  }
0x3: {  	s0 =	stileid.u32;
	s1 =	sand.u32 $0x10, s1  }
0x4: {  	s7 =	rddreg [dreg:$0x0];
	s1 =	sor.u32 s0, s1  }
0x5: {  	s4 =	simm.s32 $0x1;
	s8 =	simm.s32 $0x2;
	s2 =	sshll.u32 s1, $0x7  }
0x6: {  	s13 =	simm.s32 $0x0;
	s9 =	simm.s32 $0x20000;
	s1 =	ssub.s32 $0x4000, s2  }
0x7: {  	s14 =	simm.s32 $0x0;
	s11 =	simm.s32 $0x0;
	s3 =	sand.u32 $0xF80, s1  }
0x8: {  	s12 =	simm.s32 $0x0;
	s5 =	sshrl.u32 s1, $0xC;
	p0 =	sne.s32 s3, $0x0  }
.Ltmp0:
0x9: {  	s1 =	rddreg [dreg:$0x2];
	s4 =	simm.s32 @!p0 $0x0;
	(pc) =	sbr.rel .LBB1_1-.Ltmp0, $4  }
0xa: {  	s6 =	sadd.s32 $0x800, s7;
	s3 =	rddreg [dreg:$0x1];
	s5 =	sadd.s32 s4, s5  }
0xb: {  	_ =	strace $0x8000004A;
	s4 =	simm.s32 $0x1;
	s5 =	smul.u32 $0x19, s5  }
0xc: {  	s7 =	sadd.s32 $0x40800, s7;
	s10 =	smov.u32 s2;
	[sflag:s4] =	ssyncpa.u1 $0x0  }
0xd: {  	p0 =	por $0x0, $0x0;
	[sflag:s8] =	ssyncpa.u1 $0x0;
	s8 =	sadd.s32 $0x1, s5  }
.LBB1_7:
0xe: {  	s15 =	sadd.s32 $0x1000, s10  }
0xf: {  	s13 =	sadd.s32 $0x2, s11;
	s17 =	smov.u32 s11;
	p2 =	sgt.s32 s15, $0x3FFF  }
0x10: {  	s17 =	smov.u32 @p2 s13  }
0x11: {  	s15 =	smov.u32 @p2 s2;
	p2 =	sgt.s32 s17, $0x31  }
0x12: {  	s17 =	simm.s32 @p2 $0x0;
	p2 =	sne.s32 s12, s8  }
.Ltmp1:
0x13: {  	p1 =	slt.u32 s12, $0x2;
	(pc) =	sbr.rel @!p2 .LBB1_8-.Ltmp1, $4  }
0x14: {  	s16 =	simm.s32 @!p1 $0x2  }
0x15: {  	s14 =	smov.u32 s11;
	p0 =	por !p0, !p0;
	_ =	swait.ge @!p1 [sflag:s16], $0x2000  }
0x16: {  	s13 =	smov.u32 s10;
	[sflag:s16] =	ssyncset.done @!p1 $0x0;
	s10 =	smov.u32 s15  }
0x17: {  	s12 =	sadd.s32 $0x1, s12;
	[sflag:s16] =	ssyncadd.s32 @!p1 $0xFFFFE000;
	s11 =	smov.u32 s17  }
.LBB1_1:
0x18: {  	p1 =	sge.u32 s12, s5  }
0x19: {  	s15 =	sxor.u32 @!p1 $0xFFFFFFFF, s12;
	s16 =	sshll.u32 @!p1 s11, $0x12  }
0x1a: {  	s17 =	sshll.u32 @!p1 s10, $0x4;
	s19 =	simm.s32 @!p1 $0x20;
	s20 =	simm.s32 @!p1 $0x80  }
0x1b: {  	s15 =	sshll.u32 @!p1 s15, $0xD;
	s17 =	sand.u32 @!p1 $0x3FFF0, s17;
	s18 =	sadd.s32 @!p1 s6, s16  }
0x1c: {  	s16 =	sadd.s32 @!p1 s16, s7;
	s15 =	sand.u32 @!p1 $0x2000, s15;
	s18 =	sadd.s32 @!p1 s17, s18  }
0x1d: {  	[tilespmem:s15], [sflag:$0x1] =	stream.strided.gather @!p1 [hbm4b:s18+s19], $0x1000, s20, s19, $0x38;
	[tilespmem:$0x8080] =	vst v63  }
0x1e: {  	s31 =	sadd.s32 $0xFFFFFFFF, s12;
	s16 =	sadd.s32 @!p1 s17, s16;
	s15 =	sor.u32 @!p1 $0x1000, s15  }
0x1f: {  	[tilespmem:s15], [sflag:$0x1] =	stream.strided.gather @!p1 [hbm4b:s16+s19], $0x1000, s20, s19, $0x38;
	[tilespmem:$0x8080] =	vst v63  }
0x20: {  	p1 =	sge.u32 s31, s5  }
.Ltmp2:
0x21: {  	_ = 	snop;
	(pc) =	sbr.rel @p1 .LBB1_7-.Ltmp2, $1  }
0x22: {  	_ =	sdelay $0x3  }
0x23: {  	s15 =	simm.s32 $0x1;
	s17 =	sand.u32 $0x1, s12  }
0x24: {  	_ =	swait.ge [sflag:s4], $0x2000;
	s15 =	simm.s32 @!p0 $0x0;
	s17 =	smul.u32 $0x8100, s17  }
0x25: {  	p2 =	por $0x1, $0x1;
	[sflag:s4] =	ssyncset.done $0x0;
	s16 =	smul.u32 $0x8100, s15  }
0x26: {  	s18 =	sshll.u32 s15, $0xF;
	[sflag:s4] =	ssyncadd.s32 $0xFFFFE000;
	s30 =	sshrl.u32 s17, $0x2  }
0x27: {  	s31 =	sshrl.u32 s18, $0x2;
	s18 =	simm.s32 $0x0;
	s16 =	sshrl.u32 s16, $0x2  }
0x28: {  	s15 =	sor.u32 $0x4000, s30;
	s17 =	sadd.s32 $0x10, s31;
	s16 =	sor.u32 $0x4000, s16  }
.LBB1_3:
0x29: {  	s19 =	sshll.u32 s18, $0xC  }
0x2a: {  	s19 =	sand.u32 $0x3FFFF000, s19  }
0x2b: {  	s20 =	sadd.s32 s19, s17  }
0x2c: {  	s31 =	smul.u32 $0x4080, s18;
	v1 =	vld [tilespmem:s20+$0x0]  }
0x2d: {  	v0 =	vld [tilespmem:s20+$0xFFFFFFF0]  }
0x2e: {  	s18 =	sshra.s32 s31, $0x2  }
0x2f: {  	s18 =	sadd.s32 s18, s16  }
0x30: {  	s21 =	sadd.s32 $0x0, s18  }
0x31: {  	p1 =	por p2, p2;
	s19 =	simm.s32 $0x4;
	s20 =	sadd.s32 $0x20, s20;
	[tilespmem:s21+$0x810 ss:$0x81] =	vst.msk $0xffff, v1  }
.LBB1_4:
0x32: {  	v1 =	vld [tilespmem:s20+$0x0];
	p2 =	sne.s32 s19, $0x1FC;
	[tilespmem:s21+$0x0 ss:$0x81] =	vst.msk $0xffff, v0;
	s21 =	smov.u32 s19;
	s19 =	sadd.s32 $0x4, s19  }
.Ltmp3:
0x33: {  	v0 =	vld [tilespmem:s20+$0xFFFFFFF0];
	(pc) =	sbr.rel @p2 .LBB1_4-.Ltmp3, $4  }
0x34: {  	_ = 	snop  }
0x35: {  	s21 =	sshra.s32 s21, $0x2  }
0x36: {  	s21 =	sadd.s32 s21, s18  }
0x37: {  	s20 =	sadd.s32 $0x20, s20;
	[tilespmem:s21+$0x810 ss:$0x81] =	vst.msk $0xffff, v1  }
.Ltmp4:
0x38: {  	(pc) =	sbr.rel @p1 .LBB1_3-.Ltmp4, $2  }
0x39: {  	_ =	sdelay $0x2  }
0x3a: {  	[tilespmem:s21+$0x0 ss:$0x81] =	vst.msk $0xffff, v0;
	s18 =	simm.s32 $0x1;
	p2 =	por $0x0, $0x0  }
0x3b: {  	s16 =	sshll.u32 s13, $0x3;
	s17 =	sand.u32 $0x78, s13;
	s14 =	sshll.u32 s14, $0x10  }
.Ltmp5:
0x3c: {  	s30 =	sand.u32 $0xF800, s13;
	s16 =	sand.u32 $0x3C00, s16;
	(pc) =	sbr.rel .LBB1_7-.Ltmp5, $4  }
0x3d: {  	s31 =	sand.u32 $0x7, s13;
	s14 =	sadd.s32 s3, s14;
	s16 =	sor.u32 s17, s16  }
0x3e: {  	s13 =	sshll.u32 s31, $0x12;
	s14 =	sadd.s32 s30, s14;
	s16 =	sshrl.u32 s16, $0x3  }
0x3f: {  	s13 =	sor.u32 $0x400, s13;
	s14 =	sadd.s32 s16, s14  }
0x40: {  	[hbm4b:s14+s13] =	stream.strided.scatter [tilespmem:s15], [sflag:$0x2], $0x2000, s9, s13, $0x20;
	[tilespmem:$0x8080] =	vst v63  }
.LBB1_8:
0x41: {  	_ =	sfence.sel $0x180000  }
0x42: {  	s2 =	simm.s32 $0x1;
	[bflag:$0x0] =	sbarrier.arrive $0xFFFF  }
0x43: {  	s31 =	simm.s32 $0x2;
	[sflag:s2] =	ssyncpa.u1 $0x1  }
0x44: {  	[sflag:s31] =	ssyncpa.u1 $0x1  }
0x45: {  	p0 =	sne.s32 s0, $0x0;
	_ =	strace $0x9000004A  }
0x46: {  	s0 =	sadd.s32 @!p0 $0x100000, s1;
	[bflag:$0x2] =	sbarrier.arrive $0xFFFF  }
0x47: {  	[sflag:s0] =	ssyncadd.tile.s32 @!p0 $0x1;
	_ =	shalt  }
.Lfunc_end1:
_tile_overlayer_lowered:
.L_overlay_start_2:
0x48: {  	(tag) =	ssettag $0x2  }
0x49: {  	s0 =	rddreg [dreg:$0x0];
	s2 =	stileid.u32  }
0x4a: {  	s1 =	rddreg [dreg:$0x1];
	p0 =	sne.s32 s2, $0x0  }
0x4b: {  	s3 =	rddreg [dreg:$0x2];
	[bflag:$0x3] =	sbarrier.arrive $0xFFFF;
	s2 =	simm.s32 @!p0 $0x1C01  }
0x4c: {  	[timem:s3], [sflag:s2] =	dma.local @!p0 [hbm:s0], s1  }
0x4d: {  	s0 =	simm.s32 @!p0 $0x1  }
0x4e: {  	_ =	swait.ge @!p0 [sflag:s0], s1  }
0x4f: {  	s1 =	ssub.s32 @!p0 $0x0, s1;
	[sflag:s0] =	ssyncset.done @!p0 $0x0  }
0x50: {  	[sflag:s0] =	ssyncadd.s32 @!p0 s1  }
0x51: {  	[bflag:$0x3] =	sbarrier.arrive $0xFFFF  }
0x52: {  	_ =	shalt  }

</sc_bundles>
